<compile_context>
chip_gen: v7x
topology: tpu7x:2x2x1
jax: 0.10.2.dev20260603
libtpu: 0.0.44.dev20260713+nightly
codegen_flags: <defaults>
</compile_context>

<pallas_src>
import functools

import jax
import jax.numpy as jnp
from jax import lax
from jax.experimental import pallas as pl
from jax.experimental.pallas import tpu as pltpu
from jax.experimental.pallas import tpu_sc as plsc

NC = 2
NS = 16
NW = NC * NS
LANES = 16
ECH = 128
BR = 1000


def _sc_mesh():
    return plsc.VectorSubcoreMesh(
        core_axis_name="c", subcore_axis_name="s",
        num_cores=NC, num_subcores=NS)


def _make_deg_kernel(np_, ch, ch0=None, ch1=None):
    if ch0 is None:
        ch0 = ch1 = ch
    rpt = np_ // NS

    @functools.partial(
        pl.kernel,
        out_type=jax.ShapeDtypeStruct((NC * np_,), jnp.float32),
        mesh=_sc_mesh(),
        compiler_params=pltpu.CompilerParams(
            use_tc_tiling_on_sc=False, needs_layout_passes=False),
        scratch_types=[
            pltpu.VMEM((ch, ECH), jnp.int32),
            pltpu.VMEM((ECH, LANES), jnp.float32),
            pltpu.VMEM((ECH, LANES), jnp.float32),
            pltpu.VMEM((rpt, LANES), jnp.float32),
            pltpu.VMEM((rpt,), jnp.float32),
            pltpu.VMEM_SHARED((np_, LANES), jnp.float32),
        ],
    )
    def deg_kernel(dst_hbm, out_hbm, dst_v, ones_v, zero_v, loc_v, deg_v,
                   acc_sh):
        cid = lax.axis_index("c")
        sid = lax.axis_index("s")
        wid = cid * NS + sid
        one = jnp.ones((LANES,), jnp.float32)
        zero = jnp.zeros((LANES,), jnp.float32)

        def fill(i, _):
            ones_v[i, :] = one
            zero_v[i, :] = zero
            return 0
        lax.fori_loop(0, ECH, fill, 0)

        nz = rpt // ECH
        def zcopy(i, _):
            pltpu.sync_copy(zero_v, acc_sh.at[pl.ds(sid * rpt + i * ECH, ECH)])
            return 0
        lax.fori_loop(0, nz, zcopy, 0)
        pltpu.sync_copy(zero_v.at[pl.ds(0, rpt - nz * ECH)],
                        acc_sh.at[pl.ds(sid * rpt + nz * ECH, rpt - nz * ECH)])
        pltpu.sync_copy(dst_hbm.at[wid], dst_v)
        plsc.subcore_barrier()

        nch = jnp.where(cid == 0, ch0, ch1)

        def chunk(j, _):
            pltpu.sync_copy(ones_v, acc_sh.at[dst_v.at[j]], add=True)
            return 0
        lax.fori_loop(0, nch, chunk, 0)

        plsc.subcore_barrier()
        pltpu.sync_copy(acc_sh.at[pl.ds(sid * rpt, rpt)], loc_v)
        col0 = jnp.zeros((LANES,), jnp.int32)
        lane = lax.iota(jnp.int32, LANES)

        def compact(i, _):
            base = jnp.minimum(i * LANES, rpt - LANES)
            vals = plsc.load_gather(loc_v, [base + lane, col0])
            deg_v[pl.ds(base, LANES)] = vals
            return 0
        lax.fori_loop(0, -(-rpt // LANES), compact, 0)
        pltpu.sync_copy(deg_v, out_hbm.at[pl.ds(cid * np_ + sid * rpt, rpt)])

    return deg_kernel


def _make_agg_kernel(np_, ch, d, ch0=None, ch1=None):
    if ch0 is None:
        ch0 = ch1 = ch
    rpt = np_ // NS
    nbuf = 2 if d >= 128 else 4

    @functools.partial(
        pl.kernel,
        out_type=jax.ShapeDtypeStruct((NC * np_, d), jnp.float32),
        mesh=_sc_mesh(),
        compiler_params=pltpu.CompilerParams(
            use_tc_tiling_on_sc=(d % 128 == 0)),
        scratch_types=[
            pltpu.VMEM((ch, ECH), jnp.int32),
            pltpu.VMEM((ch, ECH), jnp.int32),
        ] + [pltpu.VMEM((ECH, d), jnp.float32) for _ in range(nbuf)]
          + [pltpu.SemaphoreType.DMA for _ in range(nbuf)]
          + [pltpu.VMEM_SHARED((np_, d), jnp.float32)],
    )
    def agg_kernel(g_hbm, src_hbm, dst_hbm, out_hbm,
                   src_v, dst_v, *rest):
        bufs = rest[:nbuf]
        sems = rest[nbuf:2 * nbuf]
        acc_sh = rest[2 * nbuf]
        cid = lax.axis_index("c")
        sid = lax.axis_index("s")
        wid = cid * NS + sid
        pltpu.sync_copy(src_hbm.at[wid], src_v)
        pltpu.sync_copy(dst_hbm.at[wid], dst_v)

        zero = jnp.zeros((LANES,), jnp.float32)
        rows0 = bufs[0]

        def fillz(i, _):
            for k in range(d // LANES):
                rows0[i, pl.ds(k * LANES, LANES)] = zero
            return 0
        lax.fori_loop(0, ECH, fillz, 0)

        nz = rpt // ECH
        def zcopy(i, _):
            pltpu.sync_copy(rows0, acc_sh.at[pl.ds(sid * rpt + i * ECH, ECH)])
            return 0
        lax.fori_loop(0, nz, zcopy, 0)
        pltpu.sync_copy(rows0.at[pl.ds(0, rpt - nz * ECH)],
                        acc_sh.at[pl.ds(sid * rpt + nz * ECH, rpt - nz * ECH)])
        plsc.subcore_barrier()

        nch = jnp.where(cid == 0, ch0, ch1)
        for b in range(nbuf):
            pltpu.async_copy(g_hbm.at[src_v.at[b]], bufs[b], sems[b])

        def group(jg, _):
            for b in range(nbuf):
                j = jg * nbuf + b
                rows, sem = bufs[b], sems[b]
                pltpu.make_async_copy(g_hbm.at[src_v.at[j]], rows, sem).wait()
                pltpu.sync_copy(rows, acc_sh.at[dst_v.at[j]], add=True)

                @pl.when(j < nch - nbuf)
                def _():
                    pltpu.async_copy(g_hbm.at[src_v.at[j + nbuf]], rows, sem)
            return 0
        lax.fori_loop(0, nch // nbuf, group, 0)

        plsc.subcore_barrier()
        pltpu.sync_copy(acc_sh.at[pl.ds(sid * rpt, rpt)],
                        out_hbm.at[pl.ds(cid * np_ + sid * rpt, rpt)])

    return agg_kernel


def _tc_mm(x, W1):
    n, d_in = x.shape
    d_hid = W1.shape[1]
    nb = n // BR

    def body(x_ref, w1_ref, h_ref):
        h_ref[...] = jnp.dot(
            x_ref[...], w1_ref[...], preferred_element_type=jnp.float32)

    return pl.pallas_call(
        body,
        grid=(nb,),
        in_specs=[
            pl.BlockSpec((BR, d_in), lambda i: (i, 0)),
            pl.BlockSpec((d_in, d_hid), lambda i: (0, 0)),
        ],
        out_specs=pl.BlockSpec((BR, d_hid), lambda i: (i, 0)),
        out_shape=jax.ShapeDtypeStruct((n, d_hid), jnp.float32),
    )(x, W1)




def _tc_b(s1, dis, b1r, W2p):
    _, np_, d_hid = s1.shape
    n = dis.shape[0]
    dp = W2p.shape[1]
    nb = n // BR

    def body(sa_ref, sb_ref, dis_ref, b1_ref, w2_ref, g2_ref):
        s = sa_ref[0] + sb_ref[0]
        dis2 = dis_ref[...]
        z = jnp.maximum(s * dis2 + b1_ref[...], 0.0)
        g2_ref[...] = jnp.dot(
            z, w2_ref[...], preferred_element_type=jnp.float32) * dis2

    return pl.pallas_call(
        body,
        grid=(nb,),
        in_specs=[
            pl.BlockSpec((1, BR, d_hid), lambda i: (0, i, 0)),
            pl.BlockSpec((1, BR, d_hid), lambda i: (1, i, 0)),
            pl.BlockSpec((BR, 1), lambda i: (i, 0)),
            pl.BlockSpec((1, d_hid), lambda i: (0, 0)),
            pl.BlockSpec((d_hid, dp), lambda i: (0, 0)),
        ],
        out_specs=pl.BlockSpec((BR, dp), lambda i: (i, 0)),
        out_shape=jax.ShapeDtypeStruct((n, dp), jnp.float32),
    )(s1, s1, dis, b1r, W2p)


def _tc_c(s2, dis, b2r, d_out):
    _, np_, dp = s2.shape
    n = dis.shape[0]
    nb = n // BR

    def body(sa_ref, sb_ref, dis_ref, b2_ref, o_ref):
        s = sa_ref[0] + sb_ref[0]
        o_ref[...] = (s * dis_ref[...] + b2_ref[...])[:, :d_out]

    return pl.pallas_call(
        body,
        grid=(nb,),
        in_specs=[
            pl.BlockSpec((1, BR, dp), lambda i: (0, i, 0)),
            pl.BlockSpec((1, BR, dp), lambda i: (1, i, 0)),
            pl.BlockSpec((BR, 1), lambda i: (i, 0)),
            pl.BlockSpec((1, dp), lambda i: (0, 0)),
        ],
        out_specs=pl.BlockSpec((BR, d_out), lambda i: (i, 0)),
        out_shape=jax.ShapeDtypeStruct((n, d_out), jnp.float32),
    )(s2, s2, dis, b2r)


def kernel(x, edge_index, W1, b1, W2, b2):
    n, d_in = x.shape
    e = edge_index.shape[1]
    d_hid = W1.shape[1]
    d_out = W2.shape[1]
    dp = ((d_out + 15) // 16) * 16

    np_ = ((n + 1 + 127) // 128) * 128

    iota = jnp.arange(n, dtype=jnp.int32)
    e_all = e + n
    t_ch = -(-e_all // (NS * ECH))
    t_ch = -(-t_ch // 8) * 8
    frac0 = 0.5
    ch0 = int(round(t_ch * frac0 / 4)) * 4
    ch0 = min(max(ch0, 4), t_ch - 4)
    ch1 = t_ch - ch0
    pad = NS * t_ch * ECH - e_all
    pad_iota = jnp.arange(pad, dtype=jnp.int32)
    src = jnp.concatenate([edge_index[0], iota, pad_iota % n])
    dst = jnp.concatenate([edge_index[1], iota, n + pad_iota % (np_ - n)])
    cut = NS * ch0 * ECH
    src3 = jnp.concatenate([
        src[:cut].reshape(NS, ch0, ECH),
        jnp.pad(src[cut:].reshape(NS, ch1, ECH),
                ((0, 0), (0, ch0 - ch1), (0, 0))),
    ], axis=0)
    dst3 = jnp.concatenate([
        dst[:cut].reshape(NS, ch0, ECH),
        jnp.pad(dst[cut:].reshape(NS, ch1, ECH),
                ((0, 0), (0, ch0 - ch1), (0, 0)), constant_values=n),
    ], axis=0)
    ch = ch0

    hist = _make_deg_kernel(np_, ch, ch0, ch1)(dst3)
    h1 = _tc_mm(x, W1)
    deg = hist[:np_] + hist[np_:]
    dis_full = jnp.where(deg > 0, lax.rsqrt(jnp.maximum(deg, 1e-12)), 0.0)
    dis = dis_full[:n, None]
    g1 = h1 * dis
    s1 = _make_agg_kernel(np_, ch, d_hid, ch0, ch1)(g1, src3, dst3)
    g2 = _tc_b(s1.reshape(NC, np_, d_hid), dis, b1.reshape(1, d_hid),
               jnp.pad(W2, ((0, 0), (0, dp - d_out))))
    s2 = _make_agg_kernel(np_, ch, dp, ch0, ch1)(g2, src3, dst3)
    return _tc_c(s2.reshape(NC, np_, dp), dis,
                 jnp.pad(b2, (0, dp - d_out)).reshape(1, dp), d_out)

# --- scband reference (transcript-rebuilt; emitter-appended) ---
"""Pipeline reference for scband-net-23630910062647 (READ-ONLY COPY).

The authoritative reference and input builder live on the scoring server;
editing this copy changes nothing except your own understanding.
"""

import jax, jax.numpy as jnp
import numpy as np

N = 10000
E = 160000
D_IN = 256
D_HID = 128
D_OUT = 41


def setup_inputs(seed: int = 0) -> dict:
    key = jax.random.key(seed)
    k1, k2, k3, k4, k5, k6 = jax.random.split(key, 6)
    x = jax.random.normal(k1, (N, D_IN), dtype=jnp.float32)
    edge_index = jax.random.randint(k2, (2, E), 0, N, dtype=jnp.int32)
    W1 = jax.random.normal(k3, (D_IN, D_HID), dtype=jnp.float32) * (1.0 / np.sqrt(D_IN))
    b1 = jnp.zeros((D_HID,), dtype=jnp.float32)
    W2 = jax.random.normal(k4, (D_HID, D_OUT), dtype=jnp.float32) * (1.0 / np.sqrt(D_HID))
    b2 = jnp.zeros((D_OUT,), dtype=jnp.float32)
    return {"x": x, "edge_index": edge_index, "W1": W1, "b1": b1, "W2": W2, "b2": b2}


def gcn_conv(x, edge_index, W, b):
    # GCN layer: out = D^{-1/2} (A + I) D^{-1/2} X W + b
    n = x.shape[0]
    src = edge_index[0]
    dst = edge_index[1]
    loop = jnp.arange(n, dtype=src.dtype)
    src = jnp.concatenate([src, loop])
    dst = jnp.concatenate([dst, loop])
    deg = jnp.zeros((n,), dtype=x.dtype).at[dst].add(1.0)
    dis = jnp.where(deg > 0, jax.lax.rsqrt(jnp.maximum(deg, 1e-12)), 0.0)
    norm = dis[src] * dis[dst]
    h = x @ W
    msg = h[src] * norm[:, None]
    out = jnp.zeros((n, h.shape[1]), dtype=x.dtype).at[dst].add(msg)
    return out + b


def reference(x, edge_index, W1, b1, W2, b2):
    h = jax.nn.relu(gcn_conv(x, edge_index, W1, b1))
    return gcn_conv(h, edge_index, W2, b2)

if __name__ == "__main__":
    import jax
    _d = setup_inputs()
    print(jax.jit(kernel)(*tuple(_d.values())))

</pallas_src>

<mosaic_0001>
#map = affine_map<(d0, d1) -> (0, 0, 0)>
#map1 = affine_map<(d0, d1) -> (0)>
module attributes {stable_mosaic.version = 14 : i64} {
  func.func @deg_kernel(%arg0: i32, %arg1: i32, %arg2: memref<32x44x128xi32, #tpu.memory_space<hbm>>, %arg3: memref<20224xf32, #tpu.memory_space<hbm>>, %arg4: memref<44x128xi32, #tpu.memory_space<vmem>>, %arg5: memref<128x16xf32, #tpu.memory_space<vmem>>, %arg6: memref<128x16xf32, #tpu.memory_space<vmem>>, %arg7: memref<632x16xf32, #tpu.memory_space<vmem>>, %arg8: memref<632xf32, #tpu.memory_space<vmem>>, %arg9: memref<10112x16xf32, #tpu.memory_space<vmem_shared>>) attributes {dimension_semantics = [#tpu.dimension_semantics<core_parallel>, #tpu.dimension_semantics<subcore_parallel>], iteration_bounds = array<i64: 2, 16>, scalar_prefetch = 0 : i64, scratch_operands = 6 : i64, tpu.core_type = #tpu.core_type<sc_vector_subcore>, window_params = [{transform_indices = #map}, {transform_indices = #map1}]} {
    %mul3A = arith.constant 16 : i32
    %mul3A_0 = arith.muli %arg0, %mul3A : i32
    %add3A = arith.addi %mul3A_0, %arg1 : i32
    %broadcast_in_dim3A = arith.constant 1.000000e+00 : f32
    %broadcast_in_dim3A_1 = vector.broadcast %broadcast_in_dim3A : f32 to vector<16xf32>
    %broadcast_in_dim3A_2 = arith.constant 0.000000e+00 : f32
    %broadcast_in_dim3A_3 = vector.broadcast %broadcast_in_dim3A_2 : f32 to vector<16xf32>
    %scan3A = arith.constant 0 : i32
    %scan3A_4 = arith.constant 0 : i32
    %scan3A_5 = arith.constant 128 : i32
    %scan3A_6 = arith.addi %scan3A_4, %scan3A_5 : i32
    %scan3A_7 = arith.constant 1 : i32
    %scan3A_8 = scf.for %scan3A_51 = %scan3A_4 to %scan3A_6 step %scan3A_7 iter_args(%scan3A_52 = %scan3A) -> (i32)  : i32 {
      %swap3A = arith.index_cast %scan3A_51 : i32 to index
      %swap3A_53 = arith.constant 0 : index
      %swap3A_54 = tpu.vector_load %arg5[%swap3A, %swap3A_53] {strides = array<i32>} : memref<128x16xf32, #tpu.memory_space<vmem>>, vector<16xf32>,
      tpu.vector_store %arg5[%swap3A, %swap3A_53], %broadcast_in_dim3A_1 {strides = array<i32>} : memref<128x16xf32, #tpu.memory_space<vmem>>, vector<16xf32>,
      %swap3A_55 = arith.index_cast %scan3A_51 : i32 to index
      %swap3A_56 = arith.constant 0 : index
      %swap3A_57 = tpu.vector_load %arg6[%swap3A_55, %swap3A_56] {strides = array<i32>} : memref<128x16xf32, #tpu.memory_space<vmem>>, vector<16xf32>,
      tpu.vector_store %arg6[%swap3A_55, %swap3A_56], %broadcast_in_dim3A_3 {strides = array<i32>} : memref<128x16xf32, #tpu.memory_space<vmem>>, vector<16xf32>,
      %scan3A_58 = arith.constant 0 : i32
      scf.yield %scan3A_58 : i32
    }
    %scan3A_9 = arith.constant 128 : i32
    %scan3A_10 = arith.constant 0 : i32
    %scan3A_11 = arith.constant 0 : i32
    %scan3A_12 = arith.constant 4 : i32
    %scan3A_13 = arith.addi %scan3A_11, %scan3A_12 : i32
    %scan3A_14 = arith.constant 1 : i32
    %scan3A_15 = scf.for %scan3A_51 = %scan3A_11 to %scan3A_13 step %scan3A_14 iter_args(%scan3A_52 = %scan3A_10) -> (i32)  : i32 {
      %mul3A_53 = arith.constant 632 : i32
      %mul3A_54 = arith.muli %arg1, %mul3A_53 : i32
      %mul3A_55 = arith.constant 128 : i32
      %mul3A_56 = arith.muli %scan3A_51, %mul3A_55 : i32
      %add3A_57 = arith.addi %mul3A_54, %mul3A_56 : i32
      "tpu.region"() ({
        %run_scoped3A = tpu.sem_alloc : memref<!tpu.dma_semaphore, #tpu.memory_space<semaphore_mem>>
        %dma_start3A = arith.constant 0 : i32
        %dma_start3A_59 = tpu.memref_slice %arg9[%add3A_57, %dma_start3A] : memref<10112x16xf32, #tpu.memory_space<vmem_shared>> -> memref<128x16xf32, #tpu.memory_space<vmem_shared>>
        %dma_start3A_60 = arith.constant 0 : i32
        %dma_start3A_61 = tpu.memref_slice %arg9[%add3A_57, %dma_start3A_60] : memref<10112x16xf32, #tpu.memory_space<vmem_shared>> -> memref<128x16xf32, #tpu.memory_space<vmem_shared>>
        tpu.enqueue_dma source(%arg6 : memref<128x16xf32, #tpu.memory_space<vmem>>) target(%dma_start3A_61 : memref<128x16xf32, #tpu.memory_space<vmem_shared>>) target_semaphore(%run_scoped3A : memref<!tpu.dma_semaphore, #tpu.memory_space<semaphore_mem>>)
        %dma_wait3A = arith.constant 0 : i32
        %dma_wait3A_62 = tpu.memref_slice %arg9[%add3A_57, %dma_wait3A] : memref<10112x16xf32, #tpu.memory_space<vmem_shared>> -> memref<128x16xf32, #tpu.memory_space<vmem_shared>>
        %dma_wait3A_63 = arith.constant 0 : i32
        %dma_wait3A_64 = tpu.memref_slice %arg9[%add3A_57, %dma_wait3A_63] : memref<10112x16xf32, #tpu.memory_space<vmem_shared>> -> memref<128x16xf32, #tpu.memory_space<vmem_shared>>
        tpu.wait_dma2 semaphore(%run_scoped3A : memref<!tpu.dma_semaphore, #tpu.memory_space<semaphore_mem>>) src(%arg6 : memref<128x16xf32, #tpu.memory_space<vmem>>) dst(%dma_wait3A_64 : memref<128x16xf32, #tpu.memory_space<vmem_shared>>)
        tpu.yield
      }) : () -> ()
      %scan3A_58 = arith.constant 0 : i32
      scf.yield %scan3A_58 : i32
    }
    %scan3A_16 = arith.constant 4 : i32
    %mul3A_17 = arith.constant 632 : i32
    %mul3A_18 = arith.muli %arg1, %mul3A_17 : i32
    %add3A_19 = arith.constant 512 : i32
    %add3A_20 = arith.addi %mul3A_18, %add3A_19 : i32
    "tpu.region"() ({
      %run_scoped3A = tpu.sem_alloc : memref<!tpu.dma_semaphore, #tpu.memory_space<semaphore_mem>>
      %dma_start3A = arith.constant 0 : i32
      %dma_start3A_51 = arith.constant 0 : i32
      %dma_start3A_52 = tpu.memref_slice %arg6[%dma_start3A, %dma_start3A_51] : memref<128x16xf32, #tpu.memory_space<vmem>> -> memref<120x16xf32, #tpu.memory_space<vmem>>
      %dma_start3A_53 = arith.constant 0 : i32
      %dma_start3A_54 = tpu.memref_slice %arg9[%add3A_20, %dma_start3A_53] : memref<10112x16xf32, #tpu.memory_space<vmem_shared>> -> memref<120x16xf32, #tpu.memory_space<vmem_shared>>
      %dma_start3A_55 = arith.constant 0 : i32
      %dma_start3A_56 = tpu.memref_slice %arg9[%add3A_20, %dma_start3A_55] : memref<10112x16xf32, #tpu.memory_space<vmem_shared>> -> memref<120x16xf32, #tpu.memory_space<vmem_shared>>
      %dma_start3A_57 = arith.constant 0 : i32
      %dma_start3A_58 = arith.constant 0 : i32
      %dma_start3A_59 = tpu.memref_slice %arg6[%dma_start3A_57, %dma_start3A_58] : memref<128x16xf32, #tpu.memory_space<vmem>> -> memref<120x16xf32, #tpu.memory_space<vmem>>
      tpu.enqueue_dma source(%dma_start3A_59 : memref<120x16xf32, #tpu.memory_space<vmem>>) target(%dma_start3A_56 : memref<120x16xf32, #tpu.memory_space<vmem_shared>>) target_semaphore(%run_scoped3A : memref<!tpu.dma_semaphore, #tpu.memory_space<semaphore_mem>>)
      %dma_wait3A = arith.constant 0 : i32
      %dma_wait3A_60 = arith.constant 0 : i32
      %dma_wait3A_61 = tpu.memref_slice %arg6[%dma_wait3A, %dma_wait3A_60] : memref<128x16xf32, #tpu.memory_space<vmem>> -> memref<120x16xf32, #tpu.memory_space<vmem>>
      %dma_wait3A_62 = arith.constant 0 : i32
      %dma_wait3A_63 = tpu.memref_slice %arg9[%add3A_20, %dma_wait3A_62] : memref<10112x16xf32, #tpu.memory_space<vmem_shared>> -> memref<120x16xf32, #tpu.memory_space<vmem_shared>>
      %dma_wait3A_64 = arith.constant 0 : i32
      %dma_wait3A_65 = tpu.memref_slice %arg9[%add3A_20, %dma_wait3A_64] : memref<10112x16xf32, #tpu.memory_space<vmem_shared>> -> memref<120x16xf32, #tpu.memory_space<vmem_shared>>
      %dma_wait3A_66 = arith.constant 0 : i32
      %dma_wait3A_67 = arith.constant 0 : i32
      %dma_wait3A_68 = tpu.memref_slice %arg6[%dma_wait3A_66, %dma_wait3A_67] : memref<128x16xf32, #tpu.memory_space<vmem>> -> memref<120x16xf32, #tpu.memory_space<vmem>>
      tpu.wait_dma2 semaphore(%run_scoped3A : memref<!tpu.dma_semaphore, #tpu.memory_space<semaphore_mem>>) src(%dma_wait3A_68 : memref<120x16xf32, #tpu.memory_space<vmem>>) dst(%dma_wait3A_65 : memref<120x16xf32, #tpu.memory_space<vmem_shared>>)
      tpu.yield
    }) : () -> ()
    "tpu.region"() ({
      %run_scoped3A = tpu.sem_alloc : memref<!tpu.dma_semaphore, #tpu.memory_space<semaphore_mem>>
      %dma_start3A = arith.constant 0 : i32
      %dma_start3A_51 = arith.constant 0 : i32
      %dma_start3A_52 = tpu.memref_slice %arg2[%add3A, %dma_start3A, %dma_start3A_51] : memref<32x44x128xi32, #tpu.memory_space<hbm>> -> memref<1x44x128xi32, #tpu.memory_space<hbm>>
      %dma_start3A_53 = tpu.memref_squeeze %dma_start3A_52 : memref<1x44x128xi32, #tpu.memory_space<hbm>> -> memref<44x128xi32, #tpu.memory_space<hbm>>
      %dma_start3A_54 = arith.constant 0 : i32
      %dma_start3A_55 = arith.constant 0 : i32
      %dma_start3A_56 = tpu.memref_slice %arg2[%add3A, %dma_start3A_54, %dma_start3A_55] : memref<32x44x128xi32, #tpu.memory_space<hbm>> -> memref<1x44x128xi32, #tpu.memory_space<hbm>>
      %dma_start3A_57 = tpu.memref_squeeze %dma_start3A_56 : memref<1x44x128xi32, #tpu.memory_space<hbm>> -> memref<44x128xi32, #tpu.memory_space<hbm>>
      tpu.enqueue_dma source(%dma_start3A_57 : memref<44x128xi32, #tpu.memory_space<hbm>>) target(%arg4 : memref<44x128xi32, #tpu.memory_space<vmem>>) target_semaphore(%run_scoped3A : memref<!tpu.dma_semaphore, #tpu.memory_space<semaphore_mem>>)
      %dma_wait3A = arith.constant 0 : i32
      %dma_wait3A_58 = arith.constant 0 : i32
      %dma_wait3A_59 = tpu.memref_slice %arg2[%add3A, %dma_wait3A, %dma_wait3A_58] : memref<32x44x128xi32, #tpu.memory_space<hbm>> -> memref<1x44x128xi32, #tpu.memory_space<hbm>>
      %dma_wait3A_60 = tpu.memref_squeeze %dma_wait3A_59 : memref<1x44x128xi32, #tpu.memory_space<hbm>> -> memref<44x128xi32, #tpu.memory_space<hbm>>
      %dma_wait3A_61 = arith.constant 0 : i32
      %dma_wait3A_62 = arith.constant 0 : i32
      %dma_wait3A_63 = tpu.memref_slice %arg2[%add3A, %dma_wait3A_61, %dma_wait3A_62] : memref<32x44x128xi32, #tpu.memory_space<hbm>> -> memref<1x44x128xi32, #tpu.memory_space<hbm>>
      %dma_wait3A_64 = tpu.memref_squeeze %dma_wait3A_63 : memref<1x44x128xi32, #tpu.memory_space<hbm>> -> memref<44x128xi32, #tpu.memory_space<hbm>>
      tpu.wait_dma2 semaphore(%run_scoped3A : memref<!tpu.dma_semaphore, #tpu.memory_space<semaphore_mem>>) src(%dma_wait3A_64 : memref<44x128xi32, #tpu.memory_space<hbm>>) dst(%arg4 : memref<44x128xi32, #tpu.memory_space<vmem>>)
      tpu.yield
    }) : () -> ()
    %barrier3A = arith.constant 0 : index
    tpu.barrier barrier_id(%barrier3A)
    %eq3A = arith.constant 0 : i32
    %eq3A_21 = arith.cmpi eq, %arg0, %eq3A : i32
    %jit3A = arith.constant 44 : i32
    %jit3A_22 = arith.constant 44 : i32
    %select_n3A = arith.select %eq3A_21, %jit3A, %jit3A_22 : i32
    %while3A = arith.constant 0 : i32
    %while3A_23 = arith.constant 0 : i32
    %while3A_24 = arith.subi %select_n3A, %while3A : i32
    %while3A_25 = arith.addi %while3A, %while3A_24 : i32
    %while3A_26 = arith.constant 1 : i32
    %while3A_27 = arith.divsi %while3A_24, %while3A_26 : i32
    %while3A_28 = arith.muli %while3A_27, %while3A_26 : i32
    %while3A_29 = arith.addi %while3A, %while3A_28 : i32
    %while3A_30 = arith.constant 1 : i32
    %while3A_31 = scf.for %while3A_51 = %while3A to %while3A_29 step %while3A_30 iter_args(%while3A_52 = %while3A_23) -> (i32)  : i32 {
      "tpu.region"() ({
        %run_scoped3A = tpu.sem_alloc : memref<!tpu.dma_semaphore, #tpu.memory_space<semaphore_mem>>
        %dma_start3A = arith.constant 0 : i32
        %dma_start3A_54 = tpu.memref_slice %arg4[%while3A_51, %dma_start3A] : memref<44x128xi32, #tpu.memory_space<vmem>> -> memref<1x128xi32, #tpu.memory_space<vmem>>
        %dma_start3A_55 = tpu.memref_squeeze %dma_start3A_54 : memref<1x128xi32, #tpu.memory_space<vmem>> -> memref<128xi32, #tpu.memory_space<vmem>>
        %dma_start3A_56 = arith.constant 0 : i32
        %dma_start3A_57 = arith.constant 0 : i32
        %dma_start3A_58 = tpu.memref_slice %arg9[%dma_start3A_56, %dma_start3A_57] : memref<10112x16xf32, #tpu.memory_space<vmem_shared>> -> memref<10112x16xf32, #tpu.memory_space<vmem_shared>>
        tpu.enqueue_indirect_dma source(%arg5 : memref<128x16xf32, #tpu.memory_space<vmem>>) target(%dma_start3A_58 : memref<10112x16xf32, #tpu.memory_space<vmem_shared>>) offsets(%dma_start3A_55 : memref<128xi32, #tpu.memory_space<vmem>>) semaphore(%run_scoped3A : memref<!tpu.dma_semaphore, #tpu.memory_space<semaphore_mem>>) {add = true}
        %dma_wait3A = arith.constant 0 : i32
        %dma_wait3A_59 = tpu.memref_slice %arg4[%while3A_51, %dma_wait3A] : memref<44x128xi32, #tpu.memory_space<vmem>> -> memref<1x128xi32, #tpu.memory_space<vmem>>
        %dma_wait3A_60 = tpu.memref_squeeze %dma_wait3A_59 : memref<1x128xi32, #tpu.memory_space<vmem>> -> memref<128xi32, #tpu.memory_space<vmem>>
        %dma_wait3A_61 = arith.constant 0 : i32
        %dma_wait3A_62 = arith.constant 0 : i32
        %dma_wait3A_63 = tpu.memref_slice %arg9[%dma_wait3A_61, %dma_wait3A_62] : memref<10112x16xf32, #tpu.memory_space<vmem_shared>> -> memref<10112x16xf32, #tpu.memory_space<vmem_shared>>
        tpu.wait_indirect_dma semaphore(%run_scoped3A : memref<!tpu.dma_semaphore, #tpu.memory_space<semaphore_mem>>) src(%arg5 : memref<128x16xf32, #tpu.memory_space<vmem>>) dst(%dma_wait3A_63 : memref<10112x16xf32, #tpu.memory_space<vmem_shared>>)
        tpu.yield
      }) : () -> ()
      %while3A_53 = arith.constant 0 : i32
      scf.yield %while3A_53 : i32
    }
    %while3A_32 = arith.constant 1 : i32
    %while3A_33 = scf.for %while3A_51 = %while3A_29 to %while3A_25 step %while3A_32 iter_args(%while3A_52 = %while3A_31) -> (i32)  : i32 {
      "tpu.region"() ({
        %run_scoped3A = tpu.sem_alloc : memref<!tpu.dma_semaphore, #tpu.memory_space<semaphore_mem>>
        %dma_start3A = arith.constant 0 : i32
        %dma_start3A_54 = tpu.memref_slice %arg4[%while3A_51, %dma_start3A] : memref<44x128xi32, #tpu.memory_space<vmem>> -> memref<1x128xi32, #tpu.memory_space<vmem>>
        %dma_start3A_55 = tpu.memref_squeeze %dma_start3A_54 : memref<1x128xi32, #tpu.memory_space<vmem>> -> memref<128xi32, #tpu.memory_space<vmem>>
        %dma_start3A_56 = arith.constant 0 : i32
        %dma_start3A_57 = arith.constant 0 : i32
        %dma_start3A_58 = tpu.memref_slice %arg9[%dma_start3A_56, %dma_start3A_57] : memref<10112x16xf32, #tpu.memory_space<vmem_shared>> -> memref<10112x16xf32, #tpu.memory_space<vmem_shared>>
        tpu.enqueue_indirect_dma source(%arg5 : memref<128x16xf32, #tpu.memory_space<vmem>>) target(%dma_start3A_58 : memref<10112x16xf32, #tpu.memory_space<vmem_shared>>) offsets(%dma_start3A_55 : memref<128xi32, #tpu.memory_space<vmem>>) semaphore(%run_scoped3A : memref<!tpu.dma_semaphore, #tpu.memory_space<semaphore_mem>>) {add = true}
        %dma_wait3A = arith.constant 0 : i32
        %dma_wait3A_59 = tpu.memref_slice %arg4[%while3A_51, %dma_wait3A] : memref<44x128xi32, #tpu.memory_space<vmem>> -> memref<1x128xi32, #tpu.memory_space<vmem>>
        %dma_wait3A_60 = tpu.memref_squeeze %dma_wait3A_59 : memref<1x128xi32, #tpu.memory_space<vmem>> -> memref<128xi32, #tpu.memory_space<vmem>>
        %dma_wait3A_61 = arith.constant 0 : i32
        %dma_wait3A_62 = arith.constant 0 : i32
        %dma_wait3A_63 = tpu.memref_slice %arg9[%dma_wait3A_61, %dma_wait3A_62] : memref<10112x16xf32, #tpu.memory_space<vmem_shared>> -> memref<10112x16xf32, #tpu.memory_space<vmem_shared>>
        tpu.wait_indirect_dma semaphore(%run_scoped3A : memref<!tpu.dma_semaphore, #tpu.memory_space<semaphore_mem>>) src(%arg5 : memref<128x16xf32, #tpu.memory_space<vmem>>) dst(%dma_wait3A_63 : memref<10112x16xf32, #tpu.memory_space<vmem_shared>>)
        tpu.yield
      }) : () -> ()
      %while3A_53 = arith.constant 0 : i32
      scf.yield %while3A_53 : i32
    }
    %barrier3A_34 = arith.constant 0 : index
    tpu.barrier barrier_id(%barrier3A_34)
    %mul3A_35 = arith.constant 632 : i32
    %mul3A_36 = arith.muli %arg1, %mul3A_35 : i32
    "tpu.region"() ({
      %run_scoped3A = tpu.sem_alloc : memref<!tpu.dma_semaphore, #tpu.memory_space<semaphore_mem>>
      %dma_start3A = arith.constant 0 : i32
      %dma_start3A_51 = tpu.memref_slice %arg9[%mul3A_36, %dma_start3A] : memref<10112x16xf32, #tpu.memory_space<vmem_shared>> -> memref<632x16xf32, #tpu.memory_space<vmem_shared>>
      %dma_start3A_52 = arith.constant 0 : i32
      %dma_start3A_53 = tpu.memref_slice %arg9[%mul3A_36, %dma_start3A_52] : memref<10112x16xf32, #tpu.memory_space<vmem_shared>> -> memref<632x16xf32, #tpu.memory_space<vmem_shared>>
      tpu.enqueue_dma source(%dma_start3A_53 : memref<632x16xf32, #tpu.memory_space<vmem_shared>>) target(%arg7 : memref<632x16xf32, #tpu.memory_space<vmem>>) target_semaphore(%run_scoped3A : memref<!tpu.dma_semaphore, #tpu.memory_space<semaphore_mem>>)
      %dma_wait3A = arith.constant 0 : i32
      %dma_wait3A_54 = tpu.memref_slice %arg9[%mul3A_36, %dma_wait3A] : memref<10112x16xf32, #tpu.memory_space<vmem_shared>> -> memref<632x16xf32, #tpu.memory_space<vmem_shared>>
      %dma_wait3A_55 = arith.constant 0 : i32
      %dma_wait3A_56 = tpu.memref_slice %arg9[%mul3A_36, %dma_wait3A_55] : memref<10112x16xf32, #tpu.memory_space<vmem_shared>> -> memref<632x16xf32, #tpu.memory_space<vmem_shared>>
      tpu.wait_dma2 semaphore(%run_scoped3A : memref<!tpu.dma_semaphore, #tpu.memory_space<semaphore_mem>>) src(%dma_wait3A_56 : memref<632x16xf32, #tpu.memory_space<vmem_shared>>) dst(%arg7 : memref<632x16xf32, #tpu.memory_space<vmem>>)
      tpu.yield
    }) : () -> ()
    %broadcast_in_dim3A_37 = arith.constant 0 : i32
    %broadcast_in_dim3A_38 = vector.broadcast %broadcast_in_dim3A_37 : i32 to vector<16xi32>
    %iota3A = tpu.iota {dimensions = array<i32: 0>} : vector<16xi32>
    %scan3A_39 = arith.constant 0 : i32
    %scan3A_40 = arith.constant 0 : i32
    %scan3A_41 = arith.constant 40 : i32
    %scan3A_42 = arith.addi %scan3A_40, %scan3A_41 : i32
    %scan3A_43 = arith.constant 1 : i32
    %scan3A_44 = scf.for %scan3A_51 = %scan3A_40 to %scan3A_42 step %scan3A_43 iter_args(%scan3A_52 = %scan3A_39) -> (i32)  : i32 {
      %mul3A_53 = arith.constant 16 : i32
      %mul3A_54 = arith.muli %scan3A_51, %mul3A_53 : i32
      %min3A = arith.constant 616 : i32
      %min3A_55 = arith.minsi %mul3A_54, %min3A : i32
      %add3A_56 = vector.broadcast %min3A_55 : i32 to vector<16xi32>
      %add3A_57 = arith.addi %add3A_56, %iota3A : vector<16xi32>
      %gather3A = tpu.vector_load_idx %arg7[%add3A_57, %broadcast_in_dim3A_38] : memref<632x16xf32, #tpu.memory_space<vmem>>[vector<16xi32>, vector<16xi32>], vector<16xf32>,
      %swap3A = arith.index_cast %min3A_55 : i32 to index
      %swap3A_58 = tpu.vector_load %arg8[%swap3A] {strides = array<i32>} : memref<632xf32, #tpu.memory_space<vmem>>, vector<16xf32>,
      tpu.vector_store %arg8[%swap3A], %gather3A {strides = array<i32>} : memref<632xf32, #tpu.memory_space<vmem>>, vector<16xf32>,
      %scan3A_59 = arith.constant 0 : i32
      scf.yield %scan3A_59 : i32
    }
    %scan3A_45 = arith.constant 40 : i32
    %mul3A_46 = arith.constant 10112 : i32
    %mul3A_47 = arith.muli %arg0, %mul3A_46 : i32
    %mul3A_48 = arith.constant 632 : i32
    %mul3A_49 = arith.muli %arg1, %mul3A_48 : i32
    %add3A_50 = arith.addi %mul3A_47, %mul3A_49 : i32
    "tpu.region"() ({
      %run_scoped3A = tpu.sem_alloc : memref<!tpu.dma_semaphore, #tpu.memory_space<semaphore_mem>>
      %dma_start3A = tpu.memref_slice %arg3[%add3A_50] : memref<20224xf32, #tpu.memory_space<hbm>> -> memref<632xf32, #tpu.memory_space<hbm>>
      %dma_start3A_51 = tpu.memref_slice %arg3[%add3A_50] : memref<20224xf32, #tpu.memory_space<hbm>> -> memref<632xf32, #tpu.memory_space<hbm>>
      tpu.enqueue_dma source(%arg8 : memref<632xf32, #tpu.memory_space<vmem>>) target(%dma_start3A_51 : memref<632xf32, #tpu.memory_space<hbm>>) target_semaphore(%run_scoped3A : memref<!tpu.dma_semaphore, #tpu.memory_space<semaphore_mem>>)
      %dma_wait3A = tpu.memref_slice %arg3[%add3A_50] : memref<20224xf32, #tpu.memory_space<hbm>> -> memref<632xf32, #tpu.memory_space<hbm>>
      %dma_wait3A_52 = tpu.memref_slice %arg3[%add3A_50] : memref<20224xf32, #tpu.memory_space<hbm>> -> memref<632xf32, #tpu.memory_space<hbm>>
      tpu.wait_dma2 semaphore(%run_scoped3A : memref<!tpu.dma_semaphore, #tpu.memory_space<semaphore_mem>>) src(%arg8 : memref<632xf32, #tpu.memory_space<vmem>>) dst(%dma_wait3A_52 : memref<632xf32, #tpu.memory_space<hbm>>)
      tpu.yield
    }) : () -> ()
    return
  }
}

#map = affine_map<(d0, d1) -> (0, 0)>
#map1 = affine_map<(d0, d1) -> (0, 0, 0)>
module attributes {stable_mosaic.version = 14 : i64} {
  func.func @agg_kernel(%arg0: i32, %arg1: i32, %arg2: memref<10000x128xf32, #tpu.memory_space<hbm>>, %arg3: memref<32x44x128xi32, #tpu.memory_space<hbm>>, %arg4: memref<32x44x128xi32, #tpu.memory_space<hbm>>, %arg5: memref<20224x128xf32, #tpu.memory_space<hbm>>, %arg6: memref<44x128xi32, #tpu.memory_space<vmem>>, %arg7: memref<44x128xi32, #tpu.memory_space<vmem>>, %arg8: memref<128x128xf32, #tpu.memory_space<vmem>>, %arg9: memref<128x128xf32, #tpu.memory_space<vmem>>, %arg10: memref<!tpu.dma_semaphore, #tpu.memory_space<semaphore_mem>>, %arg11: memref<!tpu.dma_semaphore, #tpu.memory_space<semaphore_mem>>, %arg12: memref<10112x128xf32, #tpu.memory_space<vmem_shared>>) attributes {dimension_semantics = [#tpu.dimension_semantics<core_parallel>, #tpu.dimension_semantics<subcore_parallel>], iteration_bounds = array<i64: 2, 16>, scalar_prefetch = 0 : i64, scratch_operands = 7 : i64, tpu.core_type = #tpu.core_type<sc_vector_subcore>, window_params = [{transform_indices = #map}, {transform_indices = #map1}, {transform_indices = #map1}, {transform_indices = #map}]} {
    %mul3A = arith.constant 16 : i32
    %mul3A_0 = arith.muli %arg0, %mul3A : i32
    %add3A = arith.addi %mul3A_0, %arg1 : i32
    "tpu.region"() ({
      %run_scoped3A = tpu.sem_alloc : memref<!tpu.dma_semaphore, #tpu.memory_space<semaphore_mem>>
      %dma_start3A_71 = arith.constant 0 : i32
      %dma_start3A_72 = arith.constant 0 : i32
      %dma_start3A_73 = tpu.memref_slice %arg3[%add3A, %dma_start3A_71, %dma_start3A_72] : memref<32x44x128xi32, #tpu.memory_space<hbm>> -> memref<1x44x128xi32, #tpu.memory_space<hbm>>
      %dma_start3A_74 = tpu.memref_squeeze %dma_start3A_73 : memref<1x44x128xi32, #tpu.memory_space<hbm>> -> memref<44x128xi32, #tpu.memory_space<hbm>>
      %dma_start3A_75 = arith.constant 0 : i32
      %dma_start3A_76 = arith.constant 0 : i32
      %dma_start3A_77 = tpu.memref_slice %arg3[%add3A, %dma_start3A_75, %dma_start3A_76] : memref<32x44x128xi32, #tpu.memory_space<hbm>> -> memref<1x44x128xi32, #tpu.memory_space<hbm>>
      %dma_start3A_78 = tpu.memref_squeeze %dma_start3A_77 : memref<1x44x128xi32, #tpu.memory_space<hbm>> -> memref<44x128xi32, #tpu.memory_space<hbm>>
      tpu.enqueue_dma source(%dma_start3A_78 : memref<44x128xi32, #tpu.memory_space<hbm>>) target(%arg6 : memref<44x128xi32, #tpu.memory_space<vmem>>) target_semaphore(%run_scoped3A : memref<!tpu.dma_semaphore, #tpu.memory_space<semaphore_mem>>)
      %dma_wait3A = arith.constant 0 : i32
      %dma_wait3A_79 = arith.constant 0 : i32
      %dma_wait3A_80 = tpu.memref_slice %arg3[%add3A, %dma_wait3A, %dma_wait3A_79] : memref<32x44x128xi32, #tpu.memory_space<hbm>> -> memref<1x44x128xi32, #tpu.memory_space<hbm>>
      %dma_wait3A_81 = tpu.memref_squeeze %dma_wait3A_80 : memref<1x44x128xi32, #tpu.memory_space<hbm>> -> memref<44x128xi32, #tpu.memory_space<hbm>>
      %dma_wait3A_82 = arith.constant 0 : i32
      %dma_wait3A_83 = arith.constant 0 : i32
      %dma_wait3A_84 = tpu.memref_slice %arg3[%add3A, %dma_wait3A_82, %dma_wait3A_83] : memref<32x44x128xi32, #tpu.memory_space<hbm>> -> memref<1x44x128xi32, #tpu.memory_space<hbm>>
      %dma_wait3A_85 = tpu.memref_squeeze %dma_wait3A_84 : memref<1x44x128xi32, #tpu.memory_space<hbm>> -> memref<44x128xi32, #tpu.memory_space<hbm>>
      tpu.wait_dma2 semaphore(%run_scoped3A : memref<!tpu.dma_semaphore, #tpu.memory_space<semaphore_mem>>) src(%dma_wait3A_85 : memref<44x128xi32, #tpu.memory_space<hbm>>) dst(%arg6 : memref<44x128xi32, #tpu.memory_space<vmem>>)
      tpu.yield
    }) : () -> ()
    "tpu.region"() ({
      %run_scoped3A = tpu.sem_alloc : memref<!tpu.dma_semaphore, #tpu.memory_space<semaphore_mem>>
      %dma_start3A_71 = arith.constant 0 : i32
      %dma_start3A_72 = arith.constant 0 : i32
      %dma_start3A_73 = tpu.memref_slice %arg4[%add3A, %dma_start3A_71, %dma_start3A_72] : memref<32x44x128xi32, #tpu.memory_space<hbm>> -> memref<1x44x128xi32, #tpu.memory_space<hbm>>
      %dma_start3A_74 = tpu.memref_squeeze %dma_start3A_73 : memref<1x44x128xi32, #tpu.memory_space<hbm>> -> memref<44x128xi32, #tpu.memory_space<hbm>>
      %dma_start3A_75 = arith.constant 0 : i32
      %dma_start3A_76 = arith.constant 0 : i32
      %dma_start3A_77 = tpu.memref_slice %arg4[%add3A, %dma_start3A_75, %dma_start3A_76] : memref<32x44x128xi32, #tpu.memory_space<hbm>> -> memref<1x44x128xi32, #tpu.memory_space<hbm>>
      %dma_start3A_78 = tpu.memref_squeeze %dma_start3A_77 : memref<1x44x128xi32, #tpu.memory_space<hbm>> -> memref<44x128xi32, #tpu.memory_space<hbm>>
      tpu.enqueue_dma source(%dma_start3A_78 : memref<44x128xi32, #tpu.memory_space<hbm>>) target(%arg7 : memref<44x128xi32, #tpu.memory_space<vmem>>) target_semaphore(%run_scoped3A : memref<!tpu.dma_semaphore, #tpu.memory_space<semaphore_mem>>)
      %dma_wait3A = arith.constant 0 : i32
      %dma_wait3A_79 = arith.constant 0 : i32
      %dma_wait3A_80 = tpu.memref_slice %arg4[%add3A, %dma_wait3A, %dma_wait3A_79] : memref<32x44x128xi32, #tpu.memory_space<hbm>> -> memref<1x44x128xi32, #tpu.memory_space<hbm>>
      %dma_wait3A_81 = tpu.memref_squeeze %dma_wait3A_80 : memref<1x44x128xi32, #tpu.memory_space<hbm>> -> memref<44x128xi32, #tpu.memory_space<hbm>>
      %dma_wait3A_82 = arith.constant 0 : i32
      %dma_wait3A_83 = arith.constant 0 : i32
      %dma_wait3A_84 = tpu.memref_slice %arg4[%add3A, %dma_wait3A_82, %dma_wait3A_83] : memref<32x44x128xi32, #tpu.memory_space<hbm>> -> memref<1x44x128xi32, #tpu.memory_space<hbm>>
      %dma_wait3A_85 = tpu.memref_squeeze %dma_wait3A_84 : memref<1x44x128xi32, #tpu.memory_space<hbm>> -> memref<44x128xi32, #tpu.memory_space<hbm>>
      tpu.wait_dma2 semaphore(%run_scoped3A : memref<!tpu.dma_semaphore, #tpu.memory_space<semaphore_mem>>) src(%dma_wait3A_85 : memref<44x128xi32, #tpu.memory_space<hbm>>) dst(%arg7 : memref<44x128xi32, #tpu.memory_space<vmem>>)
      tpu.yield
    }) : () -> ()
    %broadcast_in_dim3A = arith.constant 0.000000e+00 : f32
    %broadcast_in_dim3A_1 = vector.broadcast %broadcast_in_dim3A : f32 to vector<16xf32>
    %scan3A = arith.constant 0 : i32
    %scan3A_2 = arith.constant 0 : i32
    %scan3A_3 = arith.constant 128 : i32
    %scan3A_4 = arith.addi %scan3A_2, %scan3A_3 : i32
    %scan3A_5 = arith.constant 1 : i32
    %scan3A_6 = scf.for %scan3A_71 = %scan3A_2 to %scan3A_4 step %scan3A_5 iter_args(%scan3A_72 = %scan3A) -> (i32)  : i32 {
      %swap3A = arith.index_cast %scan3A_71 : i32 to index
      %swap3A_73 = arith.constant 0 : index
      %swap3A_74 = tpu.vector_load %arg8[%swap3A, %swap3A_73] {strides = array<i32>} : memref<128x128xf32, #tpu.memory_space<vmem>>, vector<1x16xf32>,
      %swap3A_75 = vector.shape_cast %swap3A_74 : vector<1x16xf32> to vector<16xf32>
      %swap3A_76 = vector.shape_cast %broadcast_in_dim3A_1 : vector<16xf32> to vector<1x16xf32>
      tpu.vector_store %arg8[%swap3A, %swap3A_73], %swap3A_76 {strides = array<i32>} : memref<128x128xf32, #tpu.memory_space<vmem>>, vector<1x16xf32>,
      %swap3A_77 = arith.index_cast %scan3A_71 : i32 to index
      %swap3A_78 = arith.constant 16 : index
      %swap3A_79 = tpu.vector_load %arg8[%swap3A_77, %swap3A_78] {strides = array<i32>} : memref<128x128xf32, #tpu.memory_space<vmem>>, vector<1x16xf32>,
      %swap3A_80 = vector.shape_cast %swap3A_79 : vector<1x16xf32> to vector<16xf32>
      %swap3A_81 = vector.shape_cast %broadcast_in_dim3A_1 : vector<16xf32> to vector<1x16xf32>
      tpu.vector_store %arg8[%swap3A_77, %swap3A_78], %swap3A_81 {strides = array<i32>} : memref<128x128xf32, #tpu.memory_space<vmem>>, vector<1x16xf32>,
      %swap3A_82 = arith.index_cast %scan3A_71 : i32 to index
      %swap3A_83 = arith.constant 32 : index
      %swap3A_84 = tpu.vector_load %arg8[%swap3A_82, %swap3A_83] {strides = array<i32>} : memref<128x128xf32, #tpu.memory_space<vmem>>, vector<1x16xf32>,
      %swap3A_85 = vector.shape_cast %swap3A_84 : vector<1x16xf32> to vector<16xf32>
      %swap3A_86 = vector.shape_cast %broadcast_in_dim3A_1 : vector<16xf32> to vector<1x16xf32>
      tpu.vector_store %arg8[%swap3A_82, %swap3A_83], %swap3A_86 {strides = array<i32>} : memref<128x128xf32, #tpu.memory_space<vmem>>, vector<1x16xf32>,
      %swap3A_87 = arith.index_cast %scan3A_71 : i32 to index
      %swap3A_88 = arith.constant 48 : index
      %swap3A_89 = tpu.vector_load %arg8[%swap3A_87, %swap3A_88] {strides = array<i32>} : memref<128x128xf32, #tpu.memory_space<vmem>>, vector<1x16xf32>,
      %swap3A_90 = vector.shape_cast %swap3A_89 : vector<1x16xf32> to vector<16xf32>
      %swap3A_91 = vector.shape_cast %broadcast_in_dim3A_1 : vector<16xf32> to vector<1x16xf32>
      tpu.vector_store %arg8[%swap3A_87, %swap3A_88], %swap3A_91 {strides = array<i32>} : memref<128x128xf32, #tpu.memory_space<vmem>>, vector<1x16xf32>,
      %swap3A_92 = arith.index_cast %scan3A_71 : i32 to index
      %swap3A_93 = arith.constant 64 : index
      %swap3A_94 = tpu.vector_load %arg8[%swap3A_92, %swap3A_93] {strides = array<i32>} : memref<128x128xf32, #tpu.memory_space<vmem>>, vector<1x16xf32>,
      %swap3A_95 = vector.shape_cast %swap3A_94 : vector<1x16xf32> to vector<16xf32>
      %swap3A_96 = vector.shape_cast %broadcast_in_dim3A_1 : vector<16xf32> to vector<1x16xf32>
      tpu.vector_store %arg8[%swap3A_92, %swap3A_93], %swap3A_96 {strides = array<i32>} : memref<128x128xf32, #tpu.memory_space<vmem>>, vector<1x16xf32>,
      %swap3A_97 = arith.index_cast %scan3A_71 : i32 to index
      %swap3A_98 = arith.constant 80 : index
      %swap3A_99 = tpu.vector_load %arg8[%swap3A_97, %swap3A_98] {strides = array<i32>} : memref<128x128xf32, #tpu.memory_space<vmem>>, vector<1x16xf32>,
      %swap3A_100 = vector.shape_cast %swap3A_99 : vector<1x16xf32> to vector<16xf32>
      %swap3A_101 = vector.shape_cast %broadcast_in_dim3A_1 : vector<16xf32> to vector<1x16xf32>
      tpu.vector_store %arg8[%swap3A_97, %swap3A_98], %swap3A_101 {strides = array<i32>} : memref<128x128xf32, #tpu.memory_space<vmem>>, vector<1x16xf32>,
      %swap3A_102 = arith.index_cast %scan3A_71 : i32 to index
      %swap3A_103 = arith.constant 96 : index
      %swap3A_104 = tpu.vector_load %arg8[%swap3A_102, %swap3A_103] {strides = array<i32>} : memref<128x128xf32, #tpu.memory_space<vmem>>, vector<1x16xf32>,
      %swap3A_105 = vector.shape_cast %swap3A_104 : vector<1x16xf32> to vector<16xf32>
      %swap3A_106 = vector.shape_cast %broadcast_in_dim3A_1 : vector<16xf32> to vector<1x16xf32>
      tpu.vector_store %arg8[%swap3A_102, %swap3A_103], %swap3A_106 {strides = array<i32>} : memref<128x128xf32, #tpu.memory_space<vmem>>, vector<1x16xf32>,
      %swap3A_107 = arith.index_cast %scan3A_71 : i32 to index
      %swap3A_108 = arith.constant 112 : index
      %swap3A_109 = tpu.vector_load %arg8[%swap3A_107, %swap3A_108] {strides = array<i32>} : memref<128x128xf32, #tpu.memory_space<vmem>>, vector<1x16xf32>,
      %swap3A_110 = vector.shape_cast %swap3A_109 : vector<1x16xf32> to vector<16xf32>
      %swap3A_111 = vector.shape_cast %broadcast_in_dim3A_1 : vector<16xf32> to vector<1x16xf32>
      tpu.vector_store %arg8[%swap3A_107, %swap3A_108], %swap3A_111 {strides = array<i32>} : memref<128x128xf32, #tpu.memory_space<vmem>>, vector<1x16xf32>,
      %scan3A_112 = arith.constant 0 : i32
      scf.yield %scan3A_112 : i32
    }
    %scan3A_7 = arith.constant 128 : i32
    %scan3A_8 = arith.constant 0 : i32
    %scan3A_9 = arith.constant 0 : i32
    %scan3A_10 = arith.constant 4 : i32
    %scan3A_11 = arith.addi %scan3A_9, %scan3A_10 : i32
    %scan3A_12 = arith.constant 1 : i32
    %scan3A_13 = scf.for %scan3A_71 = %scan3A_9 to %scan3A_11 step %scan3A_12 iter_args(%scan3A_72 = %scan3A_8) -> (i32)  : i32 {
      %mul3A_73 = arith.constant 632 : i32
      %mul3A_74 = arith.muli %arg1, %mul3A_73 : i32
      %mul3A_75 = arith.constant 128 : i32
      %mul3A_76 = arith.muli %scan3A_71, %mul3A_75 : i32
      %add3A_77 = arith.addi %mul3A_74, %mul3A_76 : i32
      "tpu.region"() ({
        %run_scoped3A = tpu.sem_alloc : memref<!tpu.dma_semaphore, #tpu.memory_space<semaphore_mem>>
        %dma_start3A_79 = arith.constant 0 : i32
        %dma_start3A_80 = tpu.memref_slice %arg12[%add3A_77, %dma_start3A_79] : memref<10112x128xf32, #tpu.memory_space<vmem_shared>> -> memref<128x128xf32, #tpu.memory_space<vmem_shared>>
        %dma_start3A_81 = arith.constant 0 : i32
        %dma_start3A_82 = tpu.memref_slice %arg12[%add3A_77, %dma_start3A_81] : memref<10112x128xf32, #tpu.memory_space<vmem_shared>> -> memref<128x128xf32, #tpu.memory_space<vmem_shared>>
        tpu.enqueue_dma source(%arg8 : memref<128x128xf32, #tpu.memory_space<vmem>>) target(%dma_start3A_82 : memref<128x128xf32, #tpu.memory_space<vmem_shared>>) target_semaphore(%run_scoped3A : memref<!tpu.dma_semaphore, #tpu.memory_space<semaphore_mem>>)
        %dma_wait3A = arith.constant 0 : i32
        %dma_wait3A_83 = tpu.memref_slice %arg12[%add3A_77, %dma_wait3A] : memref<10112x128xf32, #tpu.memory_space<vmem_shared>> -> memref<128x128xf32, #tpu.memory_space<vmem_shared>>
        %dma_wait3A_84 = arith.constant 0 : i32
        %dma_wait3A_85 = tpu.memref_slice %arg12[%add3A_77, %dma_wait3A_84] : memref<10112x128xf32, #tpu.memory_space<vmem_shared>> -> memref<128x128xf32, #tpu.memory_space<vmem_shared>>
        tpu.wait_dma2 semaphore(%run_scoped3A : memref<!tpu.dma_semaphore, #tpu.memory_space<semaphore_mem>>) src(%arg8 : memref<128x128xf32, #tpu.memory_space<vmem>>) dst(%dma_wait3A_85 : memref<128x128xf32, #tpu.memory_space<vmem_shared>>)
        tpu.yield
      }) : () -> ()
      %scan3A_78 = arith.constant 0 : i32
      scf.yield %scan3A_78 : i32
    }
    %scan3A_14 = arith.constant 4 : i32
    %mul3A_15 = arith.constant 632 : i32
    %mul3A_16 = arith.muli %arg1, %mul3A_15 : i32
    %add3A_17 = arith.constant 512 : i32
    %add3A_18 = arith.addi %mul3A_16, %add3A_17 : i32
    "tpu.region"() ({
      %run_scoped3A = tpu.sem_alloc : memref<!tpu.dma_semaphore, #tpu.memory_space<semaphore_mem>>
      %dma_start3A_71 = arith.constant 0 : i32
      %dma_start3A_72 = arith.constant 0 : i32
      %dma_start3A_73 = tpu.memref_slice %arg8[%dma_start3A_71, %dma_start3A_72] : memref<128x128xf32, #tpu.memory_space<vmem>> -> memref<120x128xf32, #tpu.memory_space<vmem>>
      %dma_start3A_74 = arith.constant 0 : i32
      %dma_start3A_75 = tpu.memref_slice %arg12[%add3A_18, %dma_start3A_74] : memref<10112x128xf32, #tpu.memory_space<vmem_shared>> -> memref<120x128xf32, #tpu.memory_space<vmem_shared>>
      %dma_start3A_76 = arith.constant 0 : i32
      %dma_start3A_77 = tpu.memref_slice %arg12[%add3A_18, %dma_start3A_76] : memref<10112x128xf32, #tpu.memory_space<vmem_shared>> -> memref<120x128xf32, #tpu.memory_space<vmem_shared>>
      %dma_start3A_78 = arith.constant 0 : i32
      %dma_start3A_79 = arith.constant 0 : i32
      %dma_start3A_80 = tpu.memref_slice %arg8[%dma_start3A_78, %dma_start3A_79] : memref<128x128xf32, #tpu.memory_space<vmem>> -> memref<120x128xf32, #tpu.memory_space<vmem>>
      tpu.enqueue_dma source(%dma_start3A_80 : memref<120x128xf32, #tpu.memory_space<vmem>>) target(%dma_start3A_77 : memref<120x128xf32, #tpu.memory_space<vmem_shared>>) target_semaphore(%run_scoped3A : memref<!tpu.dma_semaphore, #tpu.memory_space<semaphore_mem>>)
      %dma_wait3A = arith.constant 0 : i32
      %dma_wait3A_81 = arith.constant 0 : i32
      %dma_wait3A_82 = tpu.memref_slice %arg8[%dma_wait3A, %dma_wait3A_81] : memref<128x128xf32, #tpu.memory_space<vmem>> -> memref<120x128xf32, #tpu.memory_space<vmem>>
      %dma_wait3A_83 = arith.constant 0 : i32
      %dma_wait3A_84 = tpu.memref_slice %arg12[%add3A_18, %dma_wait3A_83] : memref<10112x128xf32, #tpu.memory_space<vmem_shared>> -> memref<120x128xf32, #tpu.memory_space<vmem_shared>>
      %dma_wait3A_85 = arith.constant 0 : i32
      %dma_wait3A_86 = tpu.memref_slice %arg12[%add3A_18, %dma_wait3A_85] : memref<10112x128xf32, #tpu.memory_space<vmem_shared>> -> memref<120x128xf32, #tpu.memory_space<vmem_shared>>
      %dma_wait3A_87 = arith.constant 0 : i32
      %dma_wait3A_88 = arith.constant 0 : i32
      %dma_wait3A_89 = tpu.memref_slice %arg8[%dma_wait3A_87, %dma_wait3A_88] : memref<128x128xf32, #tpu.memory_space<vmem>> -> memref<120x128xf32, #tpu.memory_space<vmem>>
      tpu.wait_dma2 semaphore(%run_scoped3A : memref<!tpu.dma_semaphore, #tpu.memory_space<semaphore_mem>>) src(%dma_wait3A_89 : memref<120x128xf32, #tpu.memory_space<vmem>>) dst(%dma_wait3A_86 : memref<120x128xf32, #tpu.memory_space<vmem_shared>>)
      tpu.yield
    }) : () -> ()
    %barrier3A = arith.constant 0 : index
    tpu.barrier barrier_id(%barrier3A)
    %eq3A = arith.constant 0 : i32
    %eq3A_19 = arith.cmpi eq, %arg0, %eq3A : i32
    %jit3A = arith.constant 44 : i32
    %jit3A_20 = arith.constant 44 : i32
    %select_n3A = arith.select %eq3A_19, %jit3A, %jit3A_20 : i32
    %dma_start3A = arith.constant 0 : i32
    %dma_start3A_21 = arith.constant 0 : i32
    %dma_start3A_22 = tpu.memref_slice %arg6[%dma_start3A, %dma_start3A_21] : memref<44x128xi32, #tpu.memory_space<vmem>> -> memref<1x128xi32, #tpu.memory_space<vmem>>
    %dma_start3A_23 = tpu.memref_squeeze %dma_start3A_22 : memref<1x128xi32, #tpu.memory_space<vmem>> -> memref<128xi32, #tpu.memory_space<vmem>>
    %dma_start3A_24 = arith.constant 0 : i32
    %dma_start3A_25 = arith.constant 0 : i32
    %dma_start3A_26 = tpu.memref_slice %arg2[%dma_start3A_24, %dma_start3A_25] : memref<10000x128xf32, #tpu.memory_space<hbm>> -> memref<10000x128xf32, #tpu.memory_space<hbm>>
    tpu.enqueue_indirect_dma source(%dma_start3A_26 : memref<10000x128xf32, #tpu.memory_space<hbm>>) target(%arg8 : memref<128x128xf32, #tpu.memory_space<vmem>>) offsets(%dma_start3A_23 : memref<128xi32, #tpu.memory_space<vmem>>) semaphore(%arg10 : memref<!tpu.dma_semaphore, #tpu.memory_space<semaphore_mem>>)
    %dma_start3A_27 = arith.constant 1 : i32
    %dma_start3A_28 = arith.constant 0 : i32
    %dma_start3A_29 = tpu.memref_slice %arg6[%dma_start3A_27, %dma_start3A_28] : memref<44x128xi32, #tpu.memory_space<vmem>> -> memref<1x128xi32, #tpu.memory_space<vmem>>
    %dma_start3A_30 = tpu.memref_squeeze %dma_start3A_29 : memref<1x128xi32, #tpu.memory_space<vmem>> -> memref<128xi32, #tpu.memory_space<vmem>>
    %dma_start3A_31 = arith.constant 0 : i32
    %dma_start3A_32 = arith.constant 0 : i32
    %dma_start3A_33 = tpu.memref_slice %arg2[%dma_start3A_31, %dma_start3A_32] : memref<10000x128xf32, #tpu.memory_space<hbm>> -> memref<10000x128xf32, #tpu.memory_space<hbm>>
    tpu.enqueue_indirect_dma source(%dma_start3A_33 : memref<10000x128xf32, #tpu.memory_space<hbm>>) target(%arg9 : memref<128x128xf32, #tpu.memory_space<vmem>>) offsets(%dma_start3A_30 : memref<128xi32, #tpu.memory_space<vmem>>) semaphore(%arg11 : memref<!tpu.dma_semaphore, #tpu.memory_space<semaphore_mem>>)
    %jit3A_34 = arith.constant 2 : i32
    %div3A = arith.divsi %select_n3A, %jit3A_34 : i32
    %sign3A = arith.constant 0 : i32
    %sign3A_35 = arith.cmpi sgt, %select_n3A, %sign3A : i32
    %sign3A_36 = arith.extui %sign3A_35 : i1 to i32
    %sign3A_37 = arith.constant 0 : i32
    %sign3A_38 = arith.cmpi slt, %select_n3A, %sign3A_37 : i32
    %sign3A_39 = arith.extui %sign3A_38 : i1 to i32
    %sign3A_40 = arith.subi %sign3A_36, %sign3A_39 : i32
    %sign3A_41 = arith.constant 0 : i32
    %sign3A_42 = arith.cmpi sgt, %jit3A_34, %sign3A_41 : i32
    %sign3A_43 = arith.extui %sign3A_42 : i1 to i32
    %sign3A_44 = arith.constant 0 : i32
    %sign3A_45 = arith.cmpi slt, %jit3A_34, %sign3A_44 : i32
    %sign3A_46 = arith.extui %sign3A_45 : i1 to i32
    %sign3A_47 = arith.subi %sign3A_43, %sign3A_46 : i32
    %ne3A = arith.cmpi ne, %sign3A_40, %sign3A_47 : i32
    %rem3A = arith.remsi %select_n3A, %jit3A_34 : i32
    %ne3A_48 = arith.constant 0 : i32
    %ne3A_49 = arith.cmpi ne, %rem3A, %ne3A_48 : i32
    %and3A = arith.andi %ne3A, %ne3A_49 : i1
    %sub3A = arith.constant 1 : i32
    %sub3A_50 = arith.subi %div3A, %sub3A : i32
    %select_n3A_51 = arith.select %and3A, %sub3A_50, %div3A : i32
    %while3A = arith.constant 0 : i32
    %while3A_52 = arith.constant 0 : i32
    %while3A_53 = arith.subi %select_n3A_51, %while3A : i32
    %while3A_54 = arith.addi %while3A, %while3A_53 : i32
    %while3A_55 = arith.constant 1 : i32
    %while3A_56 = arith.divsi %while3A_53, %while3A_55 : i32
    %while3A_57 = arith.muli %while3A_56, %while3A_55 : i32
    %while3A_58 = arith.addi %while3A, %while3A_57 : i32
    %while3A_59 = arith.constant 1 : i32
    %while3A_60 = scf.for %while3A_71 = %while3A to %while3A_58 step %while3A_59 iter_args(%while3A_72 = %while3A_52) -> (i32)  : i32 {
      %mul3A_73 = arith.constant 2 : i32
      %mul3A_74 = arith.muli %while3A_71, %mul3A_73 : i32
      %add3A_75 = arith.constant 0 : i32
      %add3A_76 = arith.addi %mul3A_74, %add3A_75 : i32
      %dma_wait3A = arith.constant 0 : i32
      %dma_wait3A_77 = tpu.memref_slice %arg6[%add3A_76, %dma_wait3A] : memref<44x128xi32, #tpu.memory_space<vmem>> -> memref<1x128xi32, #tpu.memory_space<vmem>>
      %dma_wait3A_78 = tpu.memref_squeeze %dma_wait3A_77 : memref<1x128xi32, #tpu.memory_space<vmem>> -> memref<128xi32, #tpu.memory_space<vmem>>
      %dma_wait3A_79 = arith.constant 0 : i32
      %dma_wait3A_80 = arith.constant 0 : i32
      %dma_wait3A_81 = tpu.memref_slice %arg2[%dma_wait3A_79, %dma_wait3A_80] : memref<10000x128xf32, #tpu.memory_space<hbm>> -> memref<10000x128xf32, #tpu.memory_space<hbm>>
      tpu.wait_indirect_dma semaphore(%arg10 : memref<!tpu.dma_semaphore, #tpu.memory_space<semaphore_mem>>) src(%dma_wait3A_81 : memref<10000x128xf32, #tpu.memory_space<hbm>>) dst(%arg8 : memref<128x128xf32, #tpu.memory_space<vmem>>)
      "tpu.region"() ({
        %run_scoped3A = tpu.sem_alloc : memref<!tpu.dma_semaphore, #tpu.memory_space<semaphore_mem>>
        %dma_start3A_102 = arith.constant 0 : i32
        %dma_start3A_103 = tpu.memref_slice %arg7[%add3A_76, %dma_start3A_102] : memref<44x128xi32, #tpu.memory_space<vmem>> -> memref<1x128xi32, #tpu.memory_space<vmem>>
        %dma_start3A_104 = tpu.memref_squeeze %dma_start3A_103 : memref<1x128xi32, #tpu.memory_space<vmem>> -> memref<128xi32, #tpu.memory_space<vmem>>
        %dma_start3A_105 = arith.constant 0 : i32
        %dma_start3A_106 = arith.constant 0 : i32
        %dma_start3A_107 = tpu.memref_slice %arg12[%dma_start3A_105, %dma_start3A_106] : memref<10112x128xf32, #tpu.memory_space<vmem_shared>> -> memref<10112x128xf32, #tpu.memory_space<vmem_shared>>
        tpu.enqueue_indirect_dma source(%arg8 : memref<128x128xf32, #tpu.memory_space<vmem>>) target(%dma_start3A_107 : memref<10112x128xf32, #tpu.memory_space<vmem_shared>>) offsets(%dma_start3A_104 : memref<128xi32, #tpu.memory_space<vmem>>) semaphore(%run_scoped3A : memref<!tpu.dma_semaphore, #tpu.memory_space<semaphore_mem>>) {add = true}
        %dma_wait3A_108 = arith.constant 0 : i32
        %dma_wait3A_109 = tpu.memref_slice %arg7[%add3A_76, %dma_wait3A_108] : memref<44x128xi32, #tpu.memory_space<vmem>> -> memref<1x128xi32, #tpu.memory_space<vmem>>
        %dma_wait3A_110 = tpu.memref_squeeze %dma_wait3A_109 : memref<1x128xi32, #tpu.memory_space<vmem>> -> memref<128xi32, #tpu.memory_space<vmem>>
        %dma_wait3A_111 = arith.constant 0 : i32
        %dma_wait3A_112 = arith.constant 0 : i32
        %dma_wait3A_113 = tpu.memref_slice %arg12[%dma_wait3A_111, %dma_wait3A_112] : memref<10112x128xf32, #tpu.memory_space<vmem_shared>> -> memref<10112x128xf32, #tpu.memory_space<vmem_shared>>
        tpu.wait_indirect_dma semaphore(%run_scoped3A : memref<!tpu.dma_semaphore, #tpu.memory_space<semaphore_mem>>) src(%arg8 : memref<128x128xf32, #tpu.memory_space<vmem>>) dst(%dma_wait3A_113 : memref<10112x128xf32, #tpu.memory_space<vmem_shared>>)
        tpu.yield
      }) : () -> ()
      %sub3A_82 = arith.constant 2 : i32
      %sub3A_83 = arith.subi %select_n3A, %sub3A_82 : i32
      %lt3A = arith.cmpi slt, %add3A_76, %sub3A_83 : i32
      %convert_element_type3A = arith.extui %lt3A : i1 to i32
      %cond3A = arith.constant 0 : i32
      %cond3A_84 = arith.cmpi ne, %convert_element_type3A, %cond3A : i32
      scf.if %cond3A_84 {
        %add3A_102 = arith.constant 2 : i32
        %add3A_103 = arith.addi %add3A_76, %add3A_102 : i32
        %dma_start3A_104 = arith.constant 0 : i32
        %dma_start3A_105 = tpu.memref_slice %arg6[%add3A_103, %dma_start3A_104] : memref<44x128xi32, #tpu.memory_space<vmem>> -> memref<1x128xi32, #tpu.memory_space<vmem>>
        %dma_start3A_106 = tpu.memref_squeeze %dma_start3A_105 : memref<1x128xi32, #tpu.memory_space<vmem>> -> memref<128xi32, #tpu.memory_space<vmem>>
        %dma_start3A_107 = arith.constant 0 : i32
        %dma_start3A_108 = arith.constant 0 : i32
        %dma_start3A_109 = tpu.memref_slice %arg2[%dma_start3A_107, %dma_start3A_108] : memref<10000x128xf32, #tpu.memory_space<hbm>> -> memref<10000x128xf32, #tpu.memory_space<hbm>>
        tpu.enqueue_indirect_dma source(%dma_start3A_109 : memref<10000x128xf32, #tpu.memory_space<hbm>>) target(%arg8 : memref<128x128xf32, #tpu.memory_space<vmem>>) offsets(%dma_start3A_106 : memref<128xi32, #tpu.memory_space<vmem>>) semaphore(%arg10 : memref<!tpu.dma_semaphore, #tpu.memory_space<semaphore_mem>>)
      } else {
      }
      %mul3A_85 = arith.constant 2 : i32
      %mul3A_86 = arith.muli %while3A_71, %mul3A_85 : i32
      %add3A_87 = arith.constant 1 : i32
      %add3A_88 = arith.addi %mul3A_86, %add3A_87 : i32
      %dma_wait3A_89 = arith.constant 0 : i32
      %dma_wait3A_90 = tpu.memref_slice %arg6[%add3A_88, %dma_wait3A_89] : memref<44x128xi32, #tpu.memory_space<vmem>> -> memref<1x128xi32, #tpu.memory_space<vmem>>
      %dma_wait3A_91 = tpu.memref_squeeze %dma_wait3A_90 : memref<1x128xi32, #tpu.memory_space<vmem>> -> memref<128xi32, #tpu.memory_space<vmem>>
      %dma_wait3A_92 = arith.constant 0 : i32
      %dma_wait3A_93 = arith.constant 0 : i32
      %dma_wait3A_94 = tpu.memref_slice %arg2[%dma_wait3A_92, %dma_wait3A_93] : memref<10000x128xf32, #tpu.memory_space<hbm>> -> memref<10000x128xf32, #tpu.memory_space<hbm>>
      tpu.wait_indirect_dma semaphore(%arg11 : memref<!tpu.dma_semaphore, #tpu.memory_space<semaphore_mem>>) src(%dma_wait3A_94 : memref<10000x128xf32, #tpu.memory_space<hbm>>) dst(%arg9 : memref<128x128xf32, #tpu.memory_space<vmem>>)
      "tpu.region"() ({
        %run_scoped3A = tpu.sem_alloc : memref<!tpu.dma_semaphore, #tpu.memory_space<semaphore_mem>>
        %dma_start3A_102 = arith.constant 0 : i32
        %dma_start3A_103 = tpu.memref_slice %arg7[%add3A_88, %dma_start3A_102] : memref<44x128xi32, #tpu.memory_space<vmem>> -> memref<1x128xi32, #tpu.memory_space<vmem>>
        %dma_start3A_104 = tpu.memref_squeeze %dma_start3A_103 : memref<1x128xi32, #tpu.memory_space<vmem>> -> memref<128xi32, #tpu.memory_space<vmem>>
        %dma_start3A_105 = arith.constant 0 : i32
        %dma_start3A_106 = arith.constant 0 : i32
        %dma_start3A_107 = tpu.memref_slice %arg12[%dma_start3A_105, %dma_start3A_106] : memref<10112x128xf32, #tpu.memory_space<vmem_shared>> -> memref<10112x128xf32, #tpu.memory_space<vmem_shared>>
        tpu.enqueue_indirect_dma source(%arg9 : memref<128x128xf32, #tpu.memory_space<vmem>>) target(%dma_start3A_107 : memref<10112x128xf32, #tpu.memory_space<vmem_shared>>) offsets(%dma_start3A_104 : memref<128xi32, #tpu.memory_space<vmem>>) semaphore(%run_scoped3A : memref<!tpu.dma_semaphore, #tpu.memory_space<semaphore_mem>>) {add = true}
        %dma_wait3A_108 = arith.constant 0 : i32
        %dma_wait3A_109 = tpu.memref_slice %arg7[%add3A_88, %dma_wait3A_108] : memref<44x128xi32, #tpu.memory_space<vmem>> -> memref<1x128xi32, #tpu.memory_space<vmem>>
        %dma_wait3A_110 = tpu.memref_squeeze %dma_wait3A_109 : memref<1x128xi32, #tpu.memory_space<vmem>> -> memref<128xi32, #tpu.memory_space<vmem>>
        %dma_wait3A_111 = arith.constant 0 : i32
        %dma_wait3A_112 = arith.constant 0 : i32
        %dma_wait3A_113 = tpu.memref_slice %arg12[%dma_wait3A_111, %dma_wait3A_112] : memref<10112x128xf32, #tpu.memory_space<vmem_shared>> -> memref<10112x128xf32, #tpu.memory_space<vmem_shared>>
        tpu.wait_indirect_dma semaphore(%run_scoped3A : memref<!tpu.dma_semaphore, #tpu.memory_space<semaphore_mem>>) src(%arg9 : memref<128x128xf32, #tpu.memory_space<vmem>>) dst(%dma_wait3A_113 : memref<10112x128xf32, #tpu.memory_space<vmem_shared>>)
        tpu.yield
      }) : () -> ()
      %sub3A_95 = arith.constant 2 : i32
      %sub3A_96 = arith.subi %select_n3A, %sub3A_95 : i32
      %lt3A_97 = arith.cmpi slt, %add3A_88, %sub3A_96 : i32
      %convert_element_type3A_98 = arith.extui %lt3A_97 : i1 to i32
      %cond3A_99 = arith.constant 0 : i32
      %cond3A_100 = arith.cmpi ne, %convert_element_type3A_98, %cond3A_99 : i32
      scf.if %cond3A_100 {
        %add3A_102 = arith.constant 2 : i32
        %add3A_103 = arith.addi %add3A_88, %add3A_102 : i32
        %dma_start3A_104 = arith.constant 0 : i32
        %dma_start3A_105 = tpu.memref_slice %arg6[%add3A_103, %dma_start3A_104] : memref<44x128xi32, #tpu.memory_space<vmem>> -> memref<1x128xi32, #tpu.memory_space<vmem>>
        %dma_start3A_106 = tpu.memref_squeeze %dma_start3A_105 : memref<1x128xi32, #tpu.memory_space<vmem>> -> memref<128xi32, #tpu.memory_space<vmem>>
        %dma_start3A_107 = arith.constant 0 : i32
        %dma_start3A_108 = arith.constant 0 : i32
        %dma_start3A_109 = tpu.memref_slice %arg2[%dma_start3A_107, %dma_start3A_108] : memref<10000x128xf32, #tpu.memory_space<hbm>> -> memref<10000x128xf32, #tpu.memory_space<hbm>>
        tpu.enqueue_indirect_dma source(%dma_start3A_109 : memref<10000x128xf32, #tpu.memory_space<hbm>>) target(%arg9 : memref<128x128xf32, #tpu.memory_space<vmem>>) offsets(%dma_start3A_106 : memref<128xi32, #tpu.memory_space<vmem>>) semaphore(%arg11 : memref<!tpu.dma_semaphore, #tpu.memory_space<semaphore_mem>>)
      } else {
      }
      %while3A_101 = arith.constant 0 : i32
      scf.yield %while3A_101 : i32
    }
    %while3A_61 = arith.constant 1 : i32
    %while3A_62 = scf.for %while3A_71 = %while3A_58 to %while3A_54 step %while3A_61 iter_args(%while3A_72 = %while3A_60) -> (i32)  : i32 {
      %mul3A_73 = arith.constant 2 : i32
      %mul3A_74 = arith.muli %while3A_71, %mul3A_73 : i32
      %add3A_75 = arith.constant 0 : i32
      %add3A_76 = arith.addi %mul3A_74, %add3A_75 : i32
      %dma_wait3A = arith.constant 0 : i32
      %dma_wait3A_77 = tpu.memref_slice %arg6[%add3A_76, %dma_wait3A] : memref<44x128xi32, #tpu.memory_space<vmem>> -> memref<1x128xi32, #tpu.memory_space<vmem>>
      %dma_wait3A_78 = tpu.memref_squeeze %dma_wait3A_77 : memref<1x128xi32, #tpu.memory_space<vmem>> -> memref<128xi32, #tpu.memory_space<vmem>>
      %dma_wait3A_79 = arith.constant 0 : i32
      %dma_wait3A_80 = arith.constant 0 : i32
      %dma_wait3A_81 = tpu.memref_slice %arg2[%dma_wait3A_79, %dma_wait3A_80] : memref<10000x128xf32, #tpu.memory_space<hbm>> -> memref<10000x128xf32, #tpu.memory_space<hbm>>
      tpu.wait_indirect_dma semaphore(%arg10 : memref<!tpu.dma_semaphore, #tpu.memory_space<semaphore_mem>>) src(%dma_wait3A_81 : memref<10000x128xf32, #tpu.memory_space<hbm>>) dst(%arg8 : memref<128x128xf32, #tpu.memory_space<vmem>>)
      "tpu.region"() ({
        %run_scoped3A = tpu.sem_alloc : memref<!tpu.dma_semaphore, #tpu.memory_space<semaphore_mem>>
        %dma_start3A_102 = arith.constant 0 : i32
        %dma_start3A_103 = tpu.memref_slice %arg7[%add3A_76, %dma_start3A_102] : memref<44x128xi32, #tpu.memory_space<vmem>> -> memref<1x128xi32, #tpu.memory_space<vmem>>
        %dma_start3A_104 = tpu.memref_squeeze %dma_start3A_103 : memref<1x128xi32, #tpu.memory_space<vmem>> -> memref<128xi32, #tpu.memory_space<vmem>>
        %dma_start3A_105 = arith.constant 0 : i32
        %dma_start3A_106 = arith.constant 0 : i32
        %dma_start3A_107 = tpu.memref_slice %arg12[%dma_start3A_105, %dma_start3A_106] : memref<10112x128xf32, #tpu.memory_space<vmem_shared>> -> memref<10112x128xf32, #tpu.memory_space<vmem_shared>>
        tpu.enqueue_indirect_dma source(%arg8 : memref<128x128xf32, #tpu.memory_space<vmem>>) target(%dma_start3A_107 : memref<10112x128xf32, #tpu.memory_space<vmem_shared>>) offsets(%dma_start3A_104 : memref<128xi32, #tpu.memory_space<vmem>>) semaphore(%run_scoped3A : memref<!tpu.dma_semaphore, #tpu.memory_space<semaphore_mem>>) {add = true}
        %dma_wait3A_108 = arith.constant 0 : i32
        %dma_wait3A_109 = tpu.memref_slice %arg7[%add3A_76, %dma_wait3A_108] : memref<44x128xi32, #tpu.memory_space<vmem>> -> memref<1x128xi32, #tpu.memory_space<vmem>>
        %dma_wait3A_110 = tpu.memref_squeeze %dma_wait3A_109 : memref<1x128xi32, #tpu.memory_space<vmem>> -> memref<128xi32, #tpu.memory_space<vmem>>
        %dma_wait3A_111 = arith.constant 0 : i32
        %dma_wait3A_112 = arith.constant 0 : i32
        %dma_wait3A_113 = tpu.memref_slice %arg12[%dma_wait3A_111, %dma_wait3A_112] : memref<10112x128xf32, #tpu.memory_space<vmem_shared>> -> memref<10112x128xf32, #tpu.memory_space<vmem_shared>>
        tpu.wait_indirect_dma semaphore(%run_scoped3A : memref<!tpu.dma_semaphore, #tpu.memory_space<semaphore_mem>>) src(%arg8 : memref<128x128xf32, #tpu.memory_space<vmem>>) dst(%dma_wait3A_113 : memref<10112x128xf32, #tpu.memory_space<vmem_shared>>)
        tpu.yield
      }) : () -> ()
      %sub3A_82 = arith.constant 2 : i32
      %sub3A_83 = arith.subi %select_n3A, %sub3A_82 : i32
      %lt3A = arith.cmpi slt, %add3A_76, %sub3A_83 : i32
      %convert_element_type3A = arith.extui %lt3A : i1 to i32
      %cond3A = arith.constant 0 : i32
      %cond3A_84 = arith.cmpi ne, %convert_element_type3A, %cond3A : i32
      scf.if %cond3A_84 {
        %add3A_102 = arith.constant 2 : i32
        %add3A_103 = arith.addi %add3A_76, %add3A_102 : i32
        %dma_start3A_104 = arith.constant 0 : i32
        %dma_start3A_105 = tpu.memref_slice %arg6[%add3A_103, %dma_start3A_104] : memref<44x128xi32, #tpu.memory_space<vmem>> -> memref<1x128xi32, #tpu.memory_space<vmem>>
        %dma_start3A_106 = tpu.memref_squeeze %dma_start3A_105 : memref<1x128xi32, #tpu.memory_space<vmem>> -> memref<128xi32, #tpu.memory_space<vmem>>
        %dma_start3A_107 = arith.constant 0 : i32
        %dma_start3A_108 = arith.constant 0 : i32
        %dma_start3A_109 = tpu.memref_slice %arg2[%dma_start3A_107, %dma_start3A_108] : memref<10000x128xf32, #tpu.memory_space<hbm>> -> memref<10000x128xf32, #tpu.memory_space<hbm>>
        tpu.enqueue_indirect_dma source(%dma_start3A_109 : memref<10000x128xf32, #tpu.memory_space<hbm>>) target(%arg8 : memref<128x128xf32, #tpu.memory_space<vmem>>) offsets(%dma_start3A_106 : memref<128xi32, #tpu.memory_space<vmem>>) semaphore(%arg10 : memref<!tpu.dma_semaphore, #tpu.memory_space<semaphore_mem>>)
      } else {
      }
      %mul3A_85 = arith.constant 2 : i32
      %mul3A_86 = arith.muli %while3A_71, %mul3A_85 : i32
      %add3A_87 = arith.constant 1 : i32
      %add3A_88 = arith.addi %mul3A_86, %add3A_87 : i32
      %dma_wait3A_89 = arith.constant 0 : i32
      %dma_wait3A_90 = tpu.memref_slice %arg6[%add3A_88, %dma_wait3A_89] : memref<44x128xi32, #tpu.memory_space<vmem>> -> memref<1x128xi32, #tpu.memory_space<vmem>>
      %dma_wait3A_91 = tpu.memref_squeeze %dma_wait3A_90 : memref<1x128xi32, #tpu.memory_space<vmem>> -> memref<128xi32, #tpu.memory_space<vmem>>
      %dma_wait3A_92 = arith.constant 0 : i32
      %dma_wait3A_93 = arith.constant 0 : i32
      %dma_wait3A_94 = tpu.memref_slice %arg2[%dma_wait3A_92, %dma_wait3A_93] : memref<10000x128xf32, #tpu.memory_space<hbm>> -> memref<10000x128xf32, #tpu.memory_space<hbm>>
      tpu.wait_indirect_dma semaphore(%arg11 : memref<!tpu.dma_semaphore, #tpu.memory_space<semaphore_mem>>) src(%dma_wait3A_94 : memref<10000x128xf32, #tpu.memory_space<hbm>>) dst(%arg9 : memref<128x128xf32, #tpu.memory_space<vmem>>)
      "tpu.region"() ({
        %run_scoped3A = tpu.sem_alloc : memref<!tpu.dma_semaphore, #tpu.memory_space<semaphore_mem>>
        %dma_start3A_102 = arith.constant 0 : i32
        %dma_start3A_103 = tpu.memref_slice %arg7[%add3A_88, %dma_start3A_102] : memref<44x128xi32, #tpu.memory_space<vmem>> -> memref<1x128xi32, #tpu.memory_space<vmem>>
        %dma_start3A_104 = tpu.memref_squeeze %dma_start3A_103 : memref<1x128xi32, #tpu.memory_space<vmem>> -> memref<128xi32, #tpu.memory_space<vmem>>
        %dma_start3A_105 = arith.constant 0 : i32
        %dma_start3A_106 = arith.constant 0 : i32
        %dma_start3A_107 = tpu.memref_slice %arg12[%dma_start3A_105, %dma_start3A_106] : memref<10112x128xf32, #tpu.memory_space<vmem_shared>> -> memref<10112x128xf32, #tpu.memory_space<vmem_shared>>
        tpu.enqueue_indirect_dma source(%arg9 : memref<128x128xf32, #tpu.memory_space<vmem>>) target(%dma_start3A_107 : memref<10112x128xf32, #tpu.memory_space<vmem_shared>>) offsets(%dma_start3A_104 : memref<128xi32, #tpu.memory_space<vmem>>) semaphore(%run_scoped3A : memref<!tpu.dma_semaphore, #tpu.memory_space<semaphore_mem>>) {add = true}
        %dma_wait3A_108 = arith.constant 0 : i32
        %dma_wait3A_109 = tpu.memref_slice %arg7[%add3A_88, %dma_wait3A_108] : memref<44x128xi32, #tpu.memory_space<vmem>> -> memref<1x128xi32, #tpu.memory_space<vmem>>
        %dma_wait3A_110 = tpu.memref_squeeze %dma_wait3A_109 : memref<1x128xi32, #tpu.memory_space<vmem>> -> memref<128xi32, #tpu.memory_space<vmem>>
        %dma_wait3A_111 = arith.constant 0 : i32
        %dma_wait3A_112 = arith.constant 0 : i32
        %dma_wait3A_113 = tpu.memref_slice %arg12[%dma_wait3A_111, %dma_wait3A_112] : memref<10112x128xf32, #tpu.memory_space<vmem_shared>> -> memref<10112x128xf32, #tpu.memory_space<vmem_shared>>
        tpu.wait_indirect_dma semaphore(%run_scoped3A : memref<!tpu.dma_semaphore, #tpu.memory_space<semaphore_mem>>) src(%arg9 : memref<128x128xf32, #tpu.memory_space<vmem>>) dst(%dma_wait3A_113 : memref<10112x128xf32, #tpu.memory_space<vmem_shared>>)
        tpu.yield
      }) : () -> ()
      %sub3A_95 = arith.constant 2 : i32
      %sub3A_96 = arith.subi %select_n3A, %sub3A_95 : i32
      %lt3A_97 = arith.cmpi slt, %add3A_88, %sub3A_96 : i32
      %convert_element_type3A_98 = arith.extui %lt3A_97 : i1 to i32
      %cond3A_99 = arith.constant 0 : i32
      %cond3A_100 = arith.cmpi ne, %convert_element_type3A_98, %cond3A_99 : i32
      scf.if %cond3A_100 {
        %add3A_102 = arith.constant 2 : i32
        %add3A_103 = arith.addi %add3A_88, %add3A_102 : i32
        %dma_start3A_104 = arith.constant 0 : i32
        %dma_start3A_105 = tpu.memref_slice %arg6[%add3A_103, %dma_start3A_104] : memref<44x128xi32, #tpu.memory_space<vmem>> -> memref<1x128xi32, #tpu.memory_space<vmem>>
        %dma_start3A_106 = tpu.memref_squeeze %dma_start3A_105 : memref<1x128xi32, #tpu.memory_space<vmem>> -> memref<128xi32, #tpu.memory_space<vmem>>
        %dma_start3A_107 = arith.constant 0 : i32
        %dma_start3A_108 = arith.constant 0 : i32
        %dma_start3A_109 = tpu.memref_slice %arg2[%dma_start3A_107, %dma_start3A_108] : memref<10000x128xf32, #tpu.memory_space<hbm>> -> memref<10000x128xf32, #tpu.memory_space<hbm>>
        tpu.enqueue_indirect_dma source(%dma_start3A_109 : memref<10000x128xf32, #tpu.memory_space<hbm>>) target(%arg9 : memref<128x128xf32, #tpu.memory_space<vmem>>) offsets(%dma_start3A_106 : memref<128xi32, #tpu.memory_space<vmem>>) semaphore(%arg11 : memref<!tpu.dma_semaphore, #tpu.memory_space<semaphore_mem>>)
      } else {
      }
      %while3A_101 = arith.constant 0 : i32
      scf.yield %while3A_101 : i32
    }
    %barrier3A_63 = arith.constant 0 : index
    tpu.barrier barrier_id(%barrier3A_63)
    %mul3A_64 = arith.constant 632 : i32
    %mul3A_65 = arith.muli %arg1, %mul3A_64 : i32
    %mul3A_66 = arith.constant 10112 : i32
    %mul3A_67 = arith.muli %arg0, %mul3A_66 : i32
    %mul3A_68 = arith.constant 632 : i32
    %mul3A_69 = arith.muli %arg1, %mul3A_68 : i32
    %add3A_70 = arith.addi %mul3A_67, %mul3A_69 : i32
    "tpu.region"() ({
      %run_scoped3A = tpu.sem_alloc : memref<!tpu.dma_semaphore, #tpu.memory_space<semaphore_mem>>
      %dma_start3A_71 = arith.constant 0 : i32
      %dma_start3A_72 = tpu.memref_slice %arg5[%add3A_70, %dma_start3A_71] : memref<20224x128xf32, #tpu.memory_space<hbm>> -> memref<632x128xf32, #tpu.memory_space<hbm>>
      %dma_start3A_73 = arith.constant 0 : i32
      %dma_start3A_74 = tpu.memref_slice %arg12[%mul3A_65, %dma_start3A_73] : memref<10112x128xf32, #tpu.memory_space<vmem_shared>> -> memref<632x128xf32, #tpu.memory_space<vmem_shared>>
      tpu.enqueue_dma source(%dma_start3A_74 : memref<632x128xf32, #tpu.memory_space<vmem_shared>>) target(%dma_start3A_72 : memref<632x128xf32, #tpu.memory_space<hbm>>) target_semaphore(%run_scoped3A : memref<!tpu.dma_semaphore, #tpu.memory_space<semaphore_mem>>)
      %dma_wait3A = arith.constant 0 : i32
      %dma_wait3A_75 = tpu.memref_slice %arg5[%add3A_70, %dma_wait3A] : memref<20224x128xf32, #tpu.memory_space<hbm>> -> memref<632x128xf32, #tpu.memory_space<hbm>>
      %dma_wait3A_76 = arith.constant 0 : i32
      %dma_wait3A_77 = tpu.memref_slice %arg12[%mul3A_65, %dma_wait3A_76] : memref<10112x128xf32, #tpu.memory_space<vmem_shared>> -> memref<632x128xf32, #tpu.memory_space<vmem_shared>>
      tpu.wait_dma2 semaphore(%run_scoped3A : memref<!tpu.dma_semaphore, #tpu.memory_space<semaphore_mem>>) src(%dma_wait3A_77 : memref<632x128xf32, #tpu.memory_space<vmem_shared>>) dst(%dma_wait3A_75 : memref<632x128xf32, #tpu.memory_space<hbm>>)
      tpu.yield
    }) : () -> ()
    return
  }
}

#map = affine_map<(d0, d1) -> (0, 0)>
#map1 = affine_map<(d0, d1) -> (0, 0, 0)>
module attributes {stable_mosaic.version = 14 : i64} {
  func.func @agg_kernel(%arg0: i32, %arg1: i32, %arg2: memref<10000x48xf32, #tpu.memory_space<hbm>>, %arg3: memref<32x44x128xi32, #tpu.memory_space<hbm>>, %arg4: memref<32x44x128xi32, #tpu.memory_space<hbm>>, %arg5: memref<20224x48xf32, #tpu.memory_space<hbm>>, %arg6: memref<44x128xi32, #tpu.memory_space<vmem>>, %arg7: memref<44x128xi32, #tpu.memory_space<vmem>>, %arg8: memref<128x48xf32, #tpu.memory_space<vmem>>, %arg9: memref<128x48xf32, #tpu.memory_space<vmem>>, %arg10: memref<128x48xf32, #tpu.memory_space<vmem>>, %arg11: memref<128x48xf32, #tpu.memory_space<vmem>>, %arg12: memref<!tpu.dma_semaphore, #tpu.memory_space<semaphore_mem>>, %arg13: memref<!tpu.dma_semaphore, #tpu.memory_space<semaphore_mem>>, %arg14: memref<!tpu.dma_semaphore, #tpu.memory_space<semaphore_mem>>, %arg15: memref<!tpu.dma_semaphore, #tpu.memory_space<semaphore_mem>>, %arg16: memref<10112x48xf32, #tpu.memory_space<vmem_shared>>) attributes {dimension_semantics = [#tpu.dimension_semantics<core_parallel>, #tpu.dimension_semantics<subcore_parallel>], iteration_bounds = array<i64: 2, 16>, scalar_prefetch = 0 : i64, scratch_operands = 11 : i64, tpu.core_type = #tpu.core_type<sc_vector_subcore>, window_params = [{transform_indices = #map}, {transform_indices = #map1}, {transform_indices = #map1}, {transform_indices = #map}]} {
    %mul3A = arith.constant 16 : i32
    %mul3A_0 = arith.muli %arg0, %mul3A : i32
    %add3A = arith.addi %mul3A_0, %arg1 : i32
    "tpu.region"() ({
      %run_scoped3A = tpu.sem_alloc : memref<!tpu.dma_semaphore, #tpu.memory_space<semaphore_mem>>
      %dma_start3A_85 = arith.constant 0 : i32
      %dma_start3A_86 = arith.constant 0 : i32
      %dma_start3A_87 = tpu.memref_slice %arg3[%add3A, %dma_start3A_85, %dma_start3A_86] : memref<32x44x128xi32, #tpu.memory_space<hbm>> -> memref<1x44x128xi32, #tpu.memory_space<hbm>>
      %dma_start3A_88 = tpu.memref_squeeze %dma_start3A_87 : memref<1x44x128xi32, #tpu.memory_space<hbm>> -> memref<44x128xi32, #tpu.memory_space<hbm>>
      %dma_start3A_89 = arith.constant 0 : i32
      %dma_start3A_90 = arith.constant 0 : i32
      %dma_start3A_91 = tpu.memref_slice %arg3[%add3A, %dma_start3A_89, %dma_start3A_90] : memref<32x44x128xi32, #tpu.memory_space<hbm>> -> memref<1x44x128xi32, #tpu.memory_space<hbm>>
      %dma_start3A_92 = tpu.memref_squeeze %dma_start3A_91 : memref<1x44x128xi32, #tpu.memory_space<hbm>> -> memref<44x128xi32, #tpu.memory_space<hbm>>
      tpu.enqueue_dma source(%dma_start3A_92 : memref<44x128xi32, #tpu.memory_space<hbm>>) target(%arg6 : memref<44x128xi32, #tpu.memory_space<vmem>>) target_semaphore(%run_scoped3A : memref<!tpu.dma_semaphore, #tpu.memory_space<semaphore_mem>>)
      %dma_wait3A = arith.constant 0 : i32
      %dma_wait3A_93 = arith.constant 0 : i32
      %dma_wait3A_94 = tpu.memref_slice %arg3[%add3A, %dma_wait3A, %dma_wait3A_93] : memref<32x44x128xi32, #tpu.memory_space<hbm>> -> memref<1x44x128xi32, #tpu.memory_space<hbm>>
      %dma_wait3A_95 = tpu.memref_squeeze %dma_wait3A_94 : memref<1x44x128xi32, #tpu.memory_space<hbm>> -> memref<44x128xi32, #tpu.memory_space<hbm>>
      %dma_wait3A_96 = arith.constant 0 : i32
      %dma_wait3A_97 = arith.constant 0 : i32
      %dma_wait3A_98 = tpu.memref_slice %arg3[%add3A, %dma_wait3A_96, %dma_wait3A_97] : memref<32x44x128xi32, #tpu.memory_space<hbm>> -> memref<1x44x128xi32, #tpu.memory_space<hbm>>
      %dma_wait3A_99 = tpu.memref_squeeze %dma_wait3A_98 : memref<1x44x128xi32, #tpu.memory_space<hbm>> -> memref<44x128xi32, #tpu.memory_space<hbm>>
      tpu.wait_dma2 semaphore(%run_scoped3A : memref<!tpu.dma_semaphore, #tpu.memory_space<semaphore_mem>>) src(%dma_wait3A_99 : memref<44x128xi32, #tpu.memory_space<hbm>>) dst(%arg6 : memref<44x128xi32, #tpu.memory_space<vmem>>)
      tpu.yield
    }) : () -> ()
    "tpu.region"() ({
      %run_scoped3A = tpu.sem_alloc : memref<!tpu.dma_semaphore, #tpu.memory_space<semaphore_mem>>
      %dma_start3A_85 = arith.constant 0 : i32
      %dma_start3A_86 = arith.constant 0 : i32
      %dma_start3A_87 = tpu.memref_slice %arg4[%add3A, %dma_start3A_85, %dma_start3A_86] : memref<32x44x128xi32, #tpu.memory_space<hbm>> -> memref<1x44x128xi32, #tpu.memory_space<hbm>>
      %dma_start3A_88 = tpu.memref_squeeze %dma_start3A_87 : memref<1x44x128xi32, #tpu.memory_space<hbm>> -> memref<44x128xi32, #tpu.memory_space<hbm>>
      %dma_start3A_89 = arith.constant 0 : i32
      %dma_start3A_90 = arith.constant 0 : i32
      %dma_start3A_91 = tpu.memref_slice %arg4[%add3A, %dma_start3A_89, %dma_start3A_90] : memref<32x44x128xi32, #tpu.memory_space<hbm>> -> memref<1x44x128xi32, #tpu.memory_space<hbm>>
      %dma_start3A_92 = tpu.memref_squeeze %dma_start3A_91 : memref<1x44x128xi32, #tpu.memory_space<hbm>> -> memref<44x128xi32, #tpu.memory_space<hbm>>
      tpu.enqueue_dma source(%dma_start3A_92 : memref<44x128xi32, #tpu.memory_space<hbm>>) target(%arg7 : memref<44x128xi32, #tpu.memory_space<vmem>>) target_semaphore(%run_scoped3A : memref<!tpu.dma_semaphore, #tpu.memory_space<semaphore_mem>>)
      %dma_wait3A = arith.constant 0 : i32
      %dma_wait3A_93 = arith.constant 0 : i32
      %dma_wait3A_94 = tpu.memref_slice %arg4[%add3A, %dma_wait3A, %dma_wait3A_93] : memref<32x44x128xi32, #tpu.memory_space<hbm>> -> memref<1x44x128xi32, #tpu.memory_space<hbm>>
      %dma_wait3A_95 = tpu.memref_squeeze %dma_wait3A_94 : memref<1x44x128xi32, #tpu.memory_space<hbm>> -> memref<44x128xi32, #tpu.memory_space<hbm>>
      %dma_wait3A_96 = arith.constant 0 : i32
      %dma_wait3A_97 = arith.constant 0 : i32
      %dma_wait3A_98 = tpu.memref_slice %arg4[%add3A, %dma_wait3A_96, %dma_wait3A_97] : memref<32x44x128xi32, #tpu.memory_space<hbm>> -> memref<1x44x128xi32, #tpu.memory_space<hbm>>
      %dma_wait3A_99 = tpu.memref_squeeze %dma_wait3A_98 : memref<1x44x128xi32, #tpu.memory_space<hbm>> -> memref<44x128xi32, #tpu.memory_space<hbm>>
      tpu.wait_dma2 semaphore(%run_scoped3A : memref<!tpu.dma_semaphore, #tpu.memory_space<semaphore_mem>>) src(%dma_wait3A_99 : memref<44x128xi32, #tpu.memory_space<hbm>>) dst(%arg7 : memref<44x128xi32, #tpu.memory_space<vmem>>)
      tpu.yield
    }) : () -> ()
    %broadcast_in_dim3A = arith.constant 0.000000e+00 : f32
    %broadcast_in_dim3A_1 = vector.broadcast %broadcast_in_dim3A : f32 to vector<16xf32>
    %scan3A = arith.constant 0 : i32
    %scan3A_2 = arith.constant 0 : i32
    %scan3A_3 = arith.constant 128 : i32
    %scan3A_4 = arith.addi %scan3A_2, %scan3A_3 : i32
    %scan3A_5 = arith.constant 1 : i32
    %scan3A_6 = scf.for %scan3A_85 = %scan3A_2 to %scan3A_4 step %scan3A_5 iter_args(%scan3A_86 = %scan3A) -> (i32)  : i32 {
      %swap3A = arith.index_cast %scan3A_85 : i32 to index
      %swap3A_87 = arith.constant 0 : index
      %swap3A_88 = tpu.vector_load %arg8[%swap3A, %swap3A_87] {strides = array<i32>} : memref<128x48xf32, #tpu.memory_space<vmem>>, vector<1x16xf32>,
      %swap3A_89 = vector.shape_cast %swap3A_88 : vector<1x16xf32> to vector<16xf32>
      %swap3A_90 = vector.shape_cast %broadcast_in_dim3A_1 : vector<16xf32> to vector<1x16xf32>
      tpu.vector_store %arg8[%swap3A, %swap3A_87], %swap3A_90 {strides = array<i32>} : memref<128x48xf32, #tpu.memory_space<vmem>>, vector<1x16xf32>,
      %swap3A_91 = arith.index_cast %scan3A_85 : i32 to index
      %swap3A_92 = arith.constant 16 : index
      %swap3A_93 = tpu.vector_load %arg8[%swap3A_91, %swap3A_92] {strides = array<i32>} : memref<128x48xf32, #tpu.memory_space<vmem>>, vector<1x16xf32>,
      %swap3A_94 = vector.shape_cast %swap3A_93 : vector<1x16xf32> to vector<16xf32>
      %swap3A_95 = vector.shape_cast %broadcast_in_dim3A_1 : vector<16xf32> to vector<1x16xf32>
      tpu.vector_store %arg8[%swap3A_91, %swap3A_92], %swap3A_95 {strides = array<i32>} : memref<128x48xf32, #tpu.memory_space<vmem>>, vector<1x16xf32>,
      %swap3A_96 = arith.index_cast %scan3A_85 : i32 to index
      %swap3A_97 = arith.constant 32 : index
      %swap3A_98 = tpu.vector_load %arg8[%swap3A_96, %swap3A_97] {strides = array<i32>} : memref<128x48xf32, #tpu.memory_space<vmem>>, vector<1x16xf32>,
      %swap3A_99 = vector.shape_cast %swap3A_98 : vector<1x16xf32> to vector<16xf32>
      %swap3A_100 = vector.shape_cast %broadcast_in_dim3A_1 : vector<16xf32> to vector<1x16xf32>
      tpu.vector_store %arg8[%swap3A_96, %swap3A_97], %swap3A_100 {strides = array<i32>} : memref<128x48xf32, #tpu.memory_space<vmem>>, vector<1x16xf32>,
      %scan3A_101 = arith.constant 0 : i32
      scf.yield %scan3A_101 : i32
    }
    %scan3A_7 = arith.constant 128 : i32
    %scan3A_8 = arith.constant 0 : i32
    %scan3A_9 = arith.constant 0 : i32
    %scan3A_10 = arith.constant 4 : i32
    %scan3A_11 = arith.addi %scan3A_9, %scan3A_10 : i32
    %scan3A_12 = arith.constant 1 : i32
    %scan3A_13 = scf.for %scan3A_85 = %scan3A_9 to %scan3A_11 step %scan3A_12 iter_args(%scan3A_86 = %scan3A_8) -> (i32)  : i32 {
      %mul3A_87 = arith.constant 632 : i32
      %mul3A_88 = arith.muli %arg1, %mul3A_87 : i32
      %mul3A_89 = arith.constant 128 : i32
      %mul3A_90 = arith.muli %scan3A_85, %mul3A_89 : i32
      %add3A_91 = arith.addi %mul3A_88, %mul3A_90 : i32
      "tpu.region"() ({
        %run_scoped3A = tpu.sem_alloc : memref<!tpu.dma_semaphore, #tpu.memory_space<semaphore_mem>>
        %dma_start3A_93 = arith.constant 0 : i32
        %dma_start3A_94 = tpu.memref_slice %arg16[%add3A_91, %dma_start3A_93] : memref<10112x48xf32, #tpu.memory_space<vmem_shared>> -> memref<128x48xf32, #tpu.memory_space<vmem_shared>>
        %dma_start3A_95 = arith.constant 0 : i32
        %dma_start3A_96 = tpu.memref_slice %arg16[%add3A_91, %dma_start3A_95] : memref<10112x48xf32, #tpu.memory_space<vmem_shared>> -> memref<128x48xf32, #tpu.memory_space<vmem_shared>>
        tpu.enqueue_dma source(%arg8 : memref<128x48xf32, #tpu.memory_space<vmem>>) target(%dma_start3A_96 : memref<128x48xf32, #tpu.memory_space<vmem_shared>>) target_semaphore(%run_scoped3A : memref<!tpu.dma_semaphore, #tpu.memory_space<semaphore_mem>>)
        %dma_wait3A = arith.constant 0 : i32
        %dma_wait3A_97 = tpu.memref_slice %arg16[%add3A_91, %dma_wait3A] : memref<10112x48xf32, #tpu.memory_space<vmem_shared>> -> memref<128x48xf32, #tpu.memory_space<vmem_shared>>
        %dma_wait3A_98 = arith.constant 0 : i32
        %dma_wait3A_99 = tpu.memref_slice %arg16[%add3A_91, %dma_wait3A_98] : memref<10112x48xf32, #tpu.memory_space<vmem_shared>> -> memref<128x48xf32, #tpu.memory_space<vmem_shared>>
        tpu.wait_dma2 semaphore(%run_scoped3A : memref<!tpu.dma_semaphore, #tpu.memory_space<semaphore_mem>>) src(%arg8 : memref<128x48xf32, #tpu.memory_space<vmem>>) dst(%dma_wait3A_99 : memref<128x48xf32, #tpu.memory_space<vmem_shared>>)
        tpu.yield
      }) : () -> ()
      %scan3A_92 = arith.constant 0 : i32
      scf.yield %scan3A_92 : i32
    }
    %scan3A_14 = arith.constant 4 : i32
    %mul3A_15 = arith.constant 632 : i32
    %mul3A_16 = arith.muli %arg1, %mul3A_15 : i32
    %add3A_17 = arith.constant 512 : i32
    %add3A_18 = arith.addi %mul3A_16, %add3A_17 : i32
    "tpu.region"() ({
      %run_scoped3A = tpu.sem_alloc : memref<!tpu.dma_semaphore, #tpu.memory_space<semaphore_mem>>
      %dma_start3A_85 = arith.constant 0 : i32
      %dma_start3A_86 = arith.constant 0 : i32
      %dma_start3A_87 = tpu.memref_slice %arg8[%dma_start3A_85, %dma_start3A_86] : memref<128x48xf32, #tpu.memory_space<vmem>> -> memref<120x48xf32, #tpu.memory_space<vmem>>
      %dma_start3A_88 = arith.constant 0 : i32
      %dma_start3A_89 = tpu.memref_slice %arg16[%add3A_18, %dma_start3A_88] : memref<10112x48xf32, #tpu.memory_space<vmem_shared>> -> memref<120x48xf32, #tpu.memory_space<vmem_shared>>
      %dma_start3A_90 = arith.constant 0 : i32
      %dma_start3A_91 = tpu.memref_slice %arg16[%add3A_18, %dma_start3A_90] : memref<10112x48xf32, #tpu.memory_space<vmem_shared>> -> memref<120x48xf32, #tpu.memory_space<vmem_shared>>
      %dma_start3A_92 = arith.constant 0 : i32
      %dma_start3A_93 = arith.constant 0 : i32
      %dma_start3A_94 = tpu.memref_slice %arg8[%dma_start3A_92, %dma_start3A_93] : memref<128x48xf32, #tpu.memory_space<vmem>> -> memref<120x48xf32, #tpu.memory_space<vmem>>
      tpu.enqueue_dma source(%dma_start3A_94 : memref<120x48xf32, #tpu.memory_space<vmem>>) target(%dma_start3A_91 : memref<120x48xf32, #tpu.memory_space<vmem_shared>>) target_semaphore(%run_scoped3A : memref<!tpu.dma_semaphore, #tpu.memory_space<semaphore_mem>>)
      %dma_wait3A = arith.constant 0 : i32
      %dma_wait3A_95 = arith.constant 0 : i32
      %dma_wait3A_96 = tpu.memref_slice %arg8[%dma_wait3A, %dma_wait3A_95] : memref<128x48xf32, #tpu.memory_space<vmem>> -> memref<120x48xf32, #tpu.memory_space<vmem>>
      %dma_wait3A_97 = arith.constant 0 : i32
      %dma_wait3A_98 = tpu.memref_slice %arg16[%add3A_18, %dma_wait3A_97] : memref<10112x48xf32, #tpu.memory_space<vmem_shared>> -> memref<120x48xf32, #tpu.memory_space<vmem_shared>>
      %dma_wait3A_99 = arith.constant 0 : i32
      %dma_wait3A_100 = tpu.memref_slice %arg16[%add3A_18, %dma_wait3A_99] : memref<10112x48xf32, #tpu.memory_space<vmem_shared>> -> memref<120x48xf32, #tpu.memory_space<vmem_shared>>
      %dma_wait3A_101 = arith.constant 0 : i32
      %dma_wait3A_102 = arith.constant 0 : i32
      %dma_wait3A_103 = tpu.memref_slice %arg8[%dma_wait3A_101, %dma_wait3A_102] : memref<128x48xf32, #tpu.memory_space<vmem>> -> memref<120x48xf32, #tpu.memory_space<vmem>>
      tpu.wait_dma2 semaphore(%run_scoped3A : memref<!tpu.dma_semaphore, #tpu.memory_space<semaphore_mem>>) src(%dma_wait3A_103 : memref<120x48xf32, #tpu.memory_space<vmem>>) dst(%dma_wait3A_100 : memref<120x48xf32, #tpu.memory_space<vmem_shared>>)
      tpu.yield
    }) : () -> ()
    %barrier3A = arith.constant 0 : index
    tpu.barrier barrier_id(%barrier3A)
    %eq3A = arith.constant 0 : i32
    %eq3A_19 = arith.cmpi eq, %arg0, %eq3A : i32
    %jit3A = arith.constant 44 : i32
    %jit3A_20 = arith.constant 44 : i32
    %select_n3A = arith.select %eq3A_19, %jit3A, %jit3A_20 : i32
    %dma_start3A = arith.constant 0 : i32
    %dma_start3A_21 = arith.constant 0 : i32
    %dma_start3A_22 = tpu.memref_slice %arg6[%dma_start3A, %dma_start3A_21] : memref<44x128xi32, #tpu.memory_space<vmem>> -> memref<1x128xi32, #tpu.memory_space<vmem>>
    %dma_start3A_23 = tpu.memref_squeeze %dma_start3A_22 : memref<1x128xi32, #tpu.memory_space<vmem>> -> memref<128xi32, #tpu.memory_space<vmem>>
    %dma_start3A_24 = arith.constant 0 : i32
    %dma_start3A_25 = arith.constant 0 : i32
    %dma_start3A_26 = tpu.memref_slice %arg2[%dma_start3A_24, %dma_start3A_25] : memref<10000x48xf32, #tpu.memory_space<hbm>> -> memref<10000x48xf32, #tpu.memory_space<hbm>>
    tpu.enqueue_indirect_dma source(%dma_start3A_26 : memref<10000x48xf32, #tpu.memory_space<hbm>>) target(%arg8 : memref<128x48xf32, #tpu.memory_space<vmem>>) offsets(%dma_start3A_23 : memref<128xi32, #tpu.memory_space<vmem>>) semaphore(%arg12 : memref<!tpu.dma_semaphore, #tpu.memory_space<semaphore_mem>>)
    %dma_start3A_27 = arith.constant 1 : i32
    %dma_start3A_28 = arith.constant 0 : i32
    %dma_start3A_29 = tpu.memref_slice %arg6[%dma_start3A_27, %dma_start3A_28] : memref<44x128xi32, #tpu.memory_space<vmem>> -> memref<1x128xi32, #tpu.memory_space<vmem>>
    %dma_start3A_30 = tpu.memref_squeeze %dma_start3A_29 : memref<1x128xi32, #tpu.memory_space<vmem>> -> memref<128xi32, #tpu.memory_space<vmem>>
    %dma_start3A_31 = arith.constant 0 : i32
    %dma_start3A_32 = arith.constant 0 : i32
    %dma_start3A_33 = tpu.memref_slice %arg2[%dma_start3A_31, %dma_start3A_32] : memref<10000x48xf32, #tpu.memory_space<hbm>> -> memref<10000x48xf32, #tpu.memory_space<hbm>>
    tpu.enqueue_indirect_dma source(%dma_start3A_33 : memref<10000x48xf32, #tpu.memory_space<hbm>>) target(%arg9 : memref<128x48xf32, #tpu.memory_space<vmem>>) offsets(%dma_start3A_30 : memref<128xi32, #tpu.memory_space<vmem>>) semaphore(%arg13 : memref<!tpu.dma_semaphore, #tpu.memory_space<semaphore_mem>>)
    %dma_start3A_34 = arith.constant 2 : i32
    %dma_start3A_35 = arith.constant 0 : i32
    %dma_start3A_36 = tpu.memref_slice %arg6[%dma_start3A_34, %dma_start3A_35] : memref<44x128xi32, #tpu.memory_space<vmem>> -> memref<1x128xi32, #tpu.memory_space<vmem>>
    %dma_start3A_37 = tpu.memref_squeeze %dma_start3A_36 : memref<1x128xi32, #tpu.memory_space<vmem>> -> memref<128xi32, #tpu.memory_space<vmem>>
    %dma_start3A_38 = arith.constant 0 : i32
    %dma_start3A_39 = arith.constant 0 : i32
    %dma_start3A_40 = tpu.memref_slice %arg2[%dma_start3A_38, %dma_start3A_39] : memref<10000x48xf32, #tpu.memory_space<hbm>> -> memref<10000x48xf32, #tpu.memory_space<hbm>>
    tpu.enqueue_indirect_dma source(%dma_start3A_40 : memref<10000x48xf32, #tpu.memory_space<hbm>>) target(%arg10 : memref<128x48xf32, #tpu.memory_space<vmem>>) offsets(%dma_start3A_37 : memref<128xi32, #tpu.memory_space<vmem>>) semaphore(%arg14 : memref<!tpu.dma_semaphore, #tpu.memory_space<semaphore_mem>>)
    %dma_start3A_41 = arith.constant 3 : i32
    %dma_start3A_42 = arith.constant 0 : i32
    %dma_start3A_43 = tpu.memref_slice %arg6[%dma_start3A_41, %dma_start3A_42] : memref<44x128xi32, #tpu.memory_space<vmem>> -> memref<1x128xi32, #tpu.memory_space<vmem>>
    %dma_start3A_44 = tpu.memref_squeeze %dma_start3A_43 : memref<1x128xi32, #tpu.memory_space<vmem>> -> memref<128xi32, #tpu.memory_space<vmem>>
    %dma_start3A_45 = arith.constant 0 : i32
    %dma_start3A_46 = arith.constant 0 : i32
    %dma_start3A_47 = tpu.memref_slice %arg2[%dma_start3A_45, %dma_start3A_46] : memref<10000x48xf32, #tpu.memory_space<hbm>> -> memref<10000x48xf32, #tpu.memory_space<hbm>>
    tpu.enqueue_indirect_dma source(%dma_start3A_47 : memref<10000x48xf32, #tpu.memory_space<hbm>>) target(%arg11 : memref<128x48xf32, #tpu.memory_space<vmem>>) offsets(%dma_start3A_44 : memref<128xi32, #tpu.memory_space<vmem>>) semaphore(%arg15 : memref<!tpu.dma_semaphore, #tpu.memory_space<semaphore_mem>>)
    %jit3A_48 = arith.constant 4 : i32
    %div3A = arith.divsi %select_n3A, %jit3A_48 : i32
    %sign3A = arith.constant 0 : i32
    %sign3A_49 = arith.cmpi sgt, %select_n3A, %sign3A : i32
    %sign3A_50 = arith.extui %sign3A_49 : i1 to i32
    %sign3A_51 = arith.constant 0 : i32
    %sign3A_52 = arith.cmpi slt, %select_n3A, %sign3A_51 : i32
    %sign3A_53 = arith.extui %sign3A_52 : i1 to i32
    %sign3A_54 = arith.subi %sign3A_50, %sign3A_53 : i32
    %sign3A_55 = arith.constant 0 : i32
    %sign3A_56 = arith.cmpi sgt, %jit3A_48, %sign3A_55 : i32
    %sign3A_57 = arith.extui %sign3A_56 : i1 to i32
    %sign3A_58 = arith.constant 0 : i32
    %sign3A_59 = arith.cmpi slt, %jit3A_48, %sign3A_58 : i32
    %sign3A_60 = arith.extui %sign3A_59 : i1 to i32
    %sign3A_61 = arith.subi %sign3A_57, %sign3A_60 : i32
    %ne3A = arith.cmpi ne, %sign3A_54, %sign3A_61 : i32
    %rem3A = arith.remsi %select_n3A, %jit3A_48 : i32
    %ne3A_62 = arith.constant 0 : i32
    %ne3A_63 = arith.cmpi ne, %rem3A, %ne3A_62 : i32
    %and3A = arith.andi %ne3A, %ne3A_63 : i1
    %sub3A = arith.constant 1 : i32
    %sub3A_64 = arith.subi %div3A, %sub3A : i32
    %select_n3A_65 = arith.select %and3A, %sub3A_64, %div3A : i32
    %while3A = arith.constant 0 : i32
    %while3A_66 = arith.constant 0 : i32
    %while3A_67 = arith.subi %select_n3A_65, %while3A : i32
    %while3A_68 = arith.addi %while3A, %while3A_67 : i32
    %while3A_69 = arith.constant 1 : i32
    %while3A_70 = arith.divsi %while3A_67, %while3A_69 : i32
    %while3A_71 = arith.muli %while3A_70, %while3A_69 : i32
    %while3A_72 = arith.addi %while3A, %while3A_71 : i32
    %while3A_73 = arith.constant 1 : i32
    %while3A_74 = scf.for %while3A_85 = %while3A to %while3A_72 step %while3A_73 iter_args(%while3A_86 = %while3A_66) -> (i32)  : i32 {
      %mul3A_87 = arith.constant 4 : i32
      %mul3A_88 = arith.muli %while3A_85, %mul3A_87 : i32
      %add3A_89 = arith.constant 0 : i32
      %add3A_90 = arith.addi %mul3A_88, %add3A_89 : i32
      %dma_wait3A = arith.constant 0 : i32
      %dma_wait3A_91 = tpu.memref_slice %arg6[%add3A_90, %dma_wait3A] : memref<44x128xi32, #tpu.memory_space<vmem>> -> memref<1x128xi32, #tpu.memory_space<vmem>>
      %dma_wait3A_92 = tpu.memref_squeeze %dma_wait3A_91 : memref<1x128xi32, #tpu.memory_space<vmem>> -> memref<128xi32, #tpu.memory_space<vmem>>
      %dma_wait3A_93 = arith.constant 0 : i32
      %dma_wait3A_94 = arith.constant 0 : i32
      %dma_wait3A_95 = tpu.memref_slice %arg2[%dma_wait3A_93, %dma_wait3A_94] : memref<10000x48xf32, #tpu.memory_space<hbm>> -> memref<10000x48xf32, #tpu.memory_space<hbm>>
      tpu.wait_indirect_dma semaphore(%arg12 : memref<!tpu.dma_semaphore, #tpu.memory_space<semaphore_mem>>) src(%dma_wait3A_95 : memref<10000x48xf32, #tpu.memory_space<hbm>>) dst(%arg8 : memref<128x48xf32, #tpu.memory_space<vmem>>)
      "tpu.region"() ({
        %run_scoped3A = tpu.sem_alloc : memref<!tpu.dma_semaphore, #tpu.memory_space<semaphore_mem>>
        %dma_start3A_148 = arith.constant 0 : i32
        %dma_start3A_149 = tpu.memref_slice %arg7[%add3A_90, %dma_start3A_148] : memref<44x128xi32, #tpu.memory_space<vmem>> -> memref<1x128xi32, #tpu.memory_space<vmem>>
        %dma_start3A_150 = tpu.memref_squeeze %dma_start3A_149 : memref<1x128xi32, #tpu.memory_space<vmem>> -> memref<128xi32, #tpu.memory_space<vmem>>
        %dma_start3A_151 = arith.constant 0 : i32
        %dma_start3A_152 = arith.constant 0 : i32
        %dma_start3A_153 = tpu.memref_slice %arg16[%dma_start3A_151, %dma_start3A_152] : memref<10112x48xf32, #tpu.memory_space<vmem_shared>> -> memref<10112x48xf32, #tpu.memory_space<vmem_shared>>
        tpu.enqueue_indirect_dma source(%arg8 : memref<128x48xf32, #tpu.memory_space<vmem>>) target(%dma_start3A_153 : memref<10112x48xf32, #tpu.memory_space<vmem_shared>>) offsets(%dma_start3A_150 : memref<128xi32, #tpu.memory_space<vmem>>) semaphore(%run_scoped3A : memref<!tpu.dma_semaphore, #tpu.memory_space<semaphore_mem>>) {add = true}
        %dma_wait3A_154 = arith.constant 0 : i32
        %dma_wait3A_155 = tpu.memref_slice %arg7[%add3A_90, %dma_wait3A_154] : memref<44x128xi32, #tpu.memory_space<vmem>> -> memref<1x128xi32, #tpu.memory_space<vmem>>
        %dma_wait3A_156 = tpu.memref_squeeze %dma_wait3A_155 : memref<1x128xi32, #tpu.memory_space<vmem>> -> memref<128xi32, #tpu.memory_space<vmem>>
        %dma_wait3A_157 = arith.constant 0 : i32
        %dma_wait3A_158 = arith.constant 0 : i32
        %dma_wait3A_159 = tpu.memref_slice %arg16[%dma_wait3A_157, %dma_wait3A_158] : memref<10112x48xf32, #tpu.memory_space<vmem_shared>> -> memref<10112x48xf32, #tpu.memory_space<vmem_shared>>
        tpu.wait_indirect_dma semaphore(%run_scoped3A : memref<!tpu.dma_semaphore, #tpu.memory_space<semaphore_mem>>) src(%arg8 : memref<128x48xf32, #tpu.memory_space<vmem>>) dst(%dma_wait3A_159 : memref<10112x48xf32, #tpu.memory_space<vmem_shared>>)
        tpu.yield
      }) : () -> ()
      %sub3A_96 = arith.constant 4 : i32
      %sub3A_97 = arith.subi %select_n3A, %sub3A_96 : i32
      %lt3A = arith.cmpi slt, %add3A_90, %sub3A_97 : i32
      %convert_element_type3A = arith.extui %lt3A : i1 to i32
      %cond3A = arith.constant 0 : i32
      %cond3A_98 = arith.cmpi ne, %convert_element_type3A, %cond3A : i32
      scf.if %cond3A_98 {
        %add3A_148 = arith.constant 4 : i32
        %add3A_149 = arith.addi %add3A_90, %add3A_148 : i32
        %dma_start3A_150 = arith.constant 0 : i32
        %dma_start3A_151 = tpu.memref_slice %arg6[%add3A_149, %dma_start3A_150] : memref<44x128xi32, #tpu.memory_space<vmem>> -> memref<1x128xi32, #tpu.memory_space<vmem>>
        %dma_start3A_152 = tpu.memref_squeeze %dma_start3A_151 : memref<1x128xi32, #tpu.memory_space<vmem>> -> memref<128xi32, #tpu.memory_space<vmem>>
        %dma_start3A_153 = arith.constant 0 : i32
        %dma_start3A_154 = arith.constant 0 : i32
        %dma_start3A_155 = tpu.memref_slice %arg2[%dma_start3A_153, %dma_start3A_154] : memref<10000x48xf32, #tpu.memory_space<hbm>> -> memref<10000x48xf32, #tpu.memory_space<hbm>>
        tpu.enqueue_indirect_dma source(%dma_start3A_155 : memref<10000x48xf32, #tpu.memory_space<hbm>>) target(%arg8 : memref<128x48xf32, #tpu.memory_space<vmem>>) offsets(%dma_start3A_152 : memref<128xi32, #tpu.memory_space<vmem>>) semaphore(%arg12 : memref<!tpu.dma_semaphore, #tpu.memory_space<semaphore_mem>>)
      } else {
      }
      %mul3A_99 = arith.constant 4 : i32
      %mul3A_100 = arith.muli %while3A_85, %mul3A_99 : i32
      %add3A_101 = arith.constant 1 : i32
      %add3A_102 = arith.addi %mul3A_100, %add3A_101 : i32
      %dma_wait3A_103 = arith.constant 0 : i32
      %dma_wait3A_104 = tpu.memref_slice %arg6[%add3A_102, %dma_wait3A_103] : memref<44x128xi32, #tpu.memory_space<vmem>> -> memref<1x128xi32, #tpu.memory_space<vmem>>
      %dma_wait3A_105 = tpu.memref_squeeze %dma_wait3A_104 : memref<1x128xi32, #tpu.memory_space<vmem>> -> memref<128xi32, #tpu.memory_space<vmem>>
      %dma_wait3A_106 = arith.constant 0 : i32
      %dma_wait3A_107 = arith.constant 0 : i32
      %dma_wait3A_108 = tpu.memref_slice %arg2[%dma_wait3A_106, %dma_wait3A_107] : memref<10000x48xf32, #tpu.memory_space<hbm>> -> memref<10000x48xf32, #tpu.memory_space<hbm>>
      tpu.wait_indirect_dma semaphore(%arg13 : memref<!tpu.dma_semaphore, #tpu.memory_space<semaphore_mem>>) src(%dma_wait3A_108 : memref<10000x48xf32, #tpu.memory_space<hbm>>) dst(%arg9 : memref<128x48xf32, #tpu.memory_space<vmem>>)
      "tpu.region"() ({
        %run_scoped3A = tpu.sem_alloc : memref<!tpu.dma_semaphore, #tpu.memory_space<semaphore_mem>>
        %dma_start3A_148 = arith.constant 0 : i32
        %dma_start3A_149 = tpu.memref_slice %arg7[%add3A_102, %dma_start3A_148] : memref<44x128xi32, #tpu.memory_space<vmem>> -> memref<1x128xi32, #tpu.memory_space<vmem>>
        %dma_start3A_150 = tpu.memref_squeeze %dma_start3A_149 : memref<1x128xi32, #tpu.memory_space<vmem>> -> memref<128xi32, #tpu.memory_space<vmem>>
        %dma_start3A_151 = arith.constant 0 : i32
        %dma_start3A_152 = arith.constant 0 : i32
        %dma_start3A_153 = tpu.memref_slice %arg16[%dma_start3A_151, %dma_start3A_152] : memref<10112x48xf32, #tpu.memory_space<vmem_shared>> -> memref<10112x48xf32, #tpu.memory_space<vmem_shared>>
        tpu.enqueue_indirect_dma source(%arg9 : memref<128x48xf32, #tpu.memory_space<vmem>>) target(%dma_start3A_153 : memref<10112x48xf32, #tpu.memory_space<vmem_shared>>) offsets(%dma_start3A_150 : memref<128xi32, #tpu.memory_space<vmem>>) semaphore(%run_scoped3A : memref<!tpu.dma_semaphore, #tpu.memory_space<semaphore_mem>>) {add = true}
        %dma_wait3A_154 = arith.constant 0 : i32
        %dma_wait3A_155 = tpu.memref_slice %arg7[%add3A_102, %dma_wait3A_154] : memref<44x128xi32, #tpu.memory_space<vmem>> -> memref<1x128xi32, #tpu.memory_space<vmem>>
        %dma_wait3A_156 = tpu.memref_squeeze %dma_wait3A_155 : memref<1x128xi32, #tpu.memory_space<vmem>> -> memref<128xi32, #tpu.memory_space<vmem>>
        %dma_wait3A_157 = arith.constant 0 : i32
        %dma_wait3A_158 = arith.constant 0 : i32
        %dma_wait3A_159 = tpu.memref_slice %arg16[%dma_wait3A_157, %dma_wait3A_158] : memref<10112x48xf32, #tpu.memory_space<vmem_shared>> -> memref<10112x48xf32, #tpu.memory_space<vmem_shared>>
        tpu.wait_indirect_dma semaphore(%run_scoped3A : memref<!tpu.dma_semaphore, #tpu.memory_space<semaphore_mem>>) src(%arg9 : memref<128x48xf32, #tpu.memory_space<vmem>>) dst(%dma_wait3A_159 : memref<10112x48xf32, #tpu.memory_space<vmem_shared>>)
        tpu.yield
      }) : () -> ()
      %sub3A_109 = arith.constant 4 : i32
      %sub3A_110 = arith.subi %select_n3A, %sub3A_109 : i32
      %lt3A_111 = arith.cmpi slt, %add3A_102, %sub3A_110 : i32
      %convert_element_type3A_112 = arith.extui %lt3A_111 : i1 to i32
      %cond3A_113 = arith.constant 0 : i32
      %cond3A_114 = arith.cmpi ne, %convert_element_type3A_112, %cond3A_113 : i32
      scf.if %cond3A_114 {
        %add3A_148 = arith.constant 4 : i32
        %add3A_149 = arith.addi %add3A_102, %add3A_148 : i32
        %dma_start3A_150 = arith.constant 0 : i32
        %dma_start3A_151 = tpu.memref_slice %arg6[%add3A_149, %dma_start3A_150] : memref<44x128xi32, #tpu.memory_space<vmem>> -> memref<1x128xi32, #tpu.memory_space<vmem>>
        %dma_start3A_152 = tpu.memref_squeeze %dma_start3A_151 : memref<1x128xi32, #tpu.memory_space<vmem>> -> memref<128xi32, #tpu.memory_space<vmem>>
        %dma_start3A_153 = arith.constant 0 : i32
        %dma_start3A_154 = arith.constant 0 : i32
        %dma_start3A_155 = tpu.memref_slice %arg2[%dma_start3A_153, %dma_start3A_154] : memref<10000x48xf32, #tpu.memory_space<hbm>> -> memref<10000x48xf32, #tpu.memory_space<hbm>>
        tpu.enqueue_indirect_dma source(%dma_start3A_155 : memref<10000x48xf32, #tpu.memory_space<hbm>>) target(%arg9 : memref<128x48xf32, #tpu.memory_space<vmem>>) offsets(%dma_start3A_152 : memref<128xi32, #tpu.memory_space<vmem>>) semaphore(%arg13 : memref<!tpu.dma_semaphore, #tpu.memory_space<semaphore_mem>>)
      } else {
      }
      %mul3A_115 = arith.constant 4 : i32
      %mul3A_116 = arith.muli %while3A_85, %mul3A_115 : i32
      %add3A_117 = arith.constant 2 : i32
      %add3A_118 = arith.addi %mul3A_116, %add3A_117 : i32
      %dma_wait3A_119 = arith.constant 0 : i32
      %dma_wait3A_120 = tpu.memref_slice %arg6[%add3A_118, %dma_wait3A_119] : memref<44x128xi32, #tpu.memory_space<vmem>> -> memref<1x128xi32, #tpu.memory_space<vmem>>
      %dma_wait3A_121 = tpu.memref_squeeze %dma_wait3A_120 : memref<1x128xi32, #tpu.memory_space<vmem>> -> memref<128xi32, #tpu.memory_space<vmem>>
      %dma_wait3A_122 = arith.constant 0 : i32
      %dma_wait3A_123 = arith.constant 0 : i32
      %dma_wait3A_124 = tpu.memref_slice %arg2[%dma_wait3A_122, %dma_wait3A_123] : memref<10000x48xf32, #tpu.memory_space<hbm>> -> memref<10000x48xf32, #tpu.memory_space<hbm>>
      tpu.wait_indirect_dma semaphore(%arg14 : memref<!tpu.dma_semaphore, #tpu.memory_space<semaphore_mem>>) src(%dma_wait3A_124 : memref<10000x48xf32, #tpu.memory_space<hbm>>) dst(%arg10 : memref<128x48xf32, #tpu.memory_space<vmem>>)
      "tpu.region"() ({
        %run_scoped3A = tpu.sem_alloc : memref<!tpu.dma_semaphore, #tpu.memory_space<semaphore_mem>>
        %dma_start3A_148 = arith.constant 0 : i32
        %dma_start3A_149 = tpu.memref_slice %arg7[%add3A_118, %dma_start3A_148] : memref<44x128xi32, #tpu.memory_space<vmem>> -> memref<1x128xi32, #tpu.memory_space<vmem>>
        %dma_start3A_150 = tpu.memref_squeeze %dma_start3A_149 : memref<1x128xi32, #tpu.memory_space<vmem>> -> memref<128xi32, #tpu.memory_space<vmem>>
        %dma_start3A_151 = arith.constant 0 : i32
        %dma_start3A_152 = arith.constant 0 : i32
        %dma_start3A_153 = tpu.memref_slice %arg16[%dma_start3A_151, %dma_start3A_152] : memref<10112x48xf32, #tpu.memory_space<vmem_shared>> -> memref<10112x48xf32, #tpu.memory_space<vmem_shared>>
        tpu.enqueue_indirect_dma source(%arg10 : memref<128x48xf32, #tpu.memory_space<vmem>>) target(%dma_start3A_153 : memref<10112x48xf32, #tpu.memory_space<vmem_shared>>) offsets(%dma_start3A_150 : memref<128xi32, #tpu.memory_space<vmem>>) semaphore(%run_scoped3A : memref<!tpu.dma_semaphore, #tpu.memory_space<semaphore_mem>>) {add = true}
        %dma_wait3A_154 = arith.constant 0 : i32
        %dma_wait3A_155 = tpu.memref_slice %arg7[%add3A_118, %dma_wait3A_154] : memref<44x128xi32, #tpu.memory_space<vmem>> -> memref<1x128xi32, #tpu.memory_space<vmem>>
        %dma_wait3A_156 = tpu.memref_squeeze %dma_wait3A_155 : memref<1x128xi32, #tpu.memory_space<vmem>> -> memref<128xi32, #tpu.memory_space<vmem>>
        %dma_wait3A_157 = arith.constant 0 : i32
        %dma_wait3A_158 = arith.constant 0 : i32
        %dma_wait3A_159 = tpu.memref_slice %arg16[%dma_wait3A_157, %dma_wait3A_158] : memref<10112x48xf32, #tpu.memory_space<vmem_shared>> -> memref<10112x48xf32, #tpu.memory_space<vmem_shared>>
        tpu.wait_indirect_dma semaphore(%run_scoped3A : memref<!tpu.dma_semaphore, #tpu.memory_space<semaphore_mem>>) src(%arg10 : memref<128x48xf32, #tpu.memory_space<vmem>>) dst(%dma_wait3A_159 : memref<10112x48xf32, #tpu.memory_space<vmem_shared>>)
        tpu.yield
      }) : () -> ()
      %sub3A_125 = arith.constant 4 : i32
      %sub3A_126 = arith.subi %select_n3A, %sub3A_125 : i32
      %lt3A_127 = arith.cmpi slt, %add3A_118, %sub3A_126 : i32
      %convert_element_type3A_128 = arith.extui %lt3A_127 : i1 to i32
      %cond3A_129 = arith.constant 0 : i32
      %cond3A_130 = arith.cmpi ne, %convert_element_type3A_128, %cond3A_129 : i32
      scf.if %cond3A_130 {
        %add3A_148 = arith.constant 4 : i32
        %add3A_149 = arith.addi %add3A_118, %add3A_148 : i32
        %dma_start3A_150 = arith.constant 0 : i32
        %dma_start3A_151 = tpu.memref_slice %arg6[%add3A_149, %dma_start3A_150] : memref<44x128xi32, #tpu.memory_space<vmem>> -> memref<1x128xi32, #tpu.memory_space<vmem>>
        %dma_start3A_152 = tpu.memref_squeeze %dma_start3A_151 : memref<1x128xi32, #tpu.memory_space<vmem>> -> memref<128xi32, #tpu.memory_space<vmem>>
        %dma_start3A_153 = arith.constant 0 : i32
        %dma_start3A_154 = arith.constant 0 : i32
        %dma_start3A_155 = tpu.memref_slice %arg2[%dma_start3A_153, %dma_start3A_154] : memref<10000x48xf32, #tpu.memory_space<hbm>> -> memref<10000x48xf32, #tpu.memory_space<hbm>>
        tpu.enqueue_indirect_dma source(%dma_start3A_155 : memref<10000x48xf32, #tpu.memory_space<hbm>>) target(%arg10 : memref<128x48xf32, #tpu.memory_space<vmem>>) offsets(%dma_start3A_152 : memref<128xi32, #tpu.memory_space<vmem>>) semaphore(%arg14 : memref<!tpu.dma_semaphore, #tpu.memory_space<semaphore_mem>>)
      } else {
      }
      %mul3A_131 = arith.constant 4 : i32
      %mul3A_132 = arith.muli %while3A_85, %mul3A_131 : i32
      %add3A_133 = arith.constant 3 : i32
      %add3A_134 = arith.addi %mul3A_132, %add3A_133 : i32
      %dma_wait3A_135 = arith.constant 0 : i32
      %dma_wait3A_136 = tpu.memref_slice %arg6[%add3A_134, %dma_wait3A_135] : memref<44x128xi32, #tpu.memory_space<vmem>> -> memref<1x128xi32, #tpu.memory_space<vmem>>
      %dma_wait3A_137 = tpu.memref_squeeze %dma_wait3A_136 : memref<1x128xi32, #tpu.memory_space<vmem>> -> memref<128xi32, #tpu.memory_space<vmem>>
      %dma_wait3A_138 = arith.constant 0 : i32
      %dma_wait3A_139 = arith.constant 0 : i32
      %dma_wait3A_140 = tpu.memref_slice %arg2[%dma_wait3A_138, %dma_wait3A_139] : memref<10000x48xf32, #tpu.memory_space<hbm>> -> memref<10000x48xf32, #tpu.memory_space<hbm>>
      tpu.wait_indirect_dma semaphore(%arg15 : memref<!tpu.dma_semaphore, #tpu.memory_space<semaphore_mem>>) src(%dma_wait3A_140 : memref<10000x48xf32, #tpu.memory_space<hbm>>) dst(%arg11 : memref<128x48xf32, #tpu.memory_space<vmem>>)
      "tpu.region"() ({
        %run_scoped3A = tpu.sem_alloc : memref<!tpu.dma_semaphore, #tpu.memory_space<semaphore_mem>>
        %dma_start3A_148 = arith.constant 0 : i32
        %dma_start3A_149 = tpu.memref_slice %arg7[%add3A_134, %dma_start3A_148] : memref<44x128xi32, #tpu.memory_space<vmem>> -> memref<1x128xi32, #tpu.memory_space<vmem>>
        %dma_start3A_150 = tpu.memref_squeeze %dma_start3A_149 : memref<1x128xi32, #tpu.memory_space<vmem>> -> memref<128xi32, #tpu.memory_space<vmem>>
        %dma_start3A_151 = arith.constant 0 : i32
        %dma_start3A_152 = arith.constant 0 : i32
        %dma_start3A_153 = tpu.memref_slice %arg16[%dma_start3A_151, %dma_start3A_152] : memref<10112x48xf32, #tpu.memory_space<vmem_shared>> -> memref<10112x48xf32, #tpu.memory_space<vmem_shared>>
        tpu.enqueue_indirect_dma source(%arg11 : memref<128x48xf32, #tpu.memory_space<vmem>>) target(%dma_start3A_153 : memref<10112x48xf32, #tpu.memory_space<vmem_shared>>) offsets(%dma_start3A_150 : memref<128xi32, #tpu.memory_space<vmem>>) semaphore(%run_scoped3A : memref<!tpu.dma_semaphore, #tpu.memory_space<semaphore_mem>>) {add = true}
        %dma_wait3A_154 = arith.constant 0 : i32
        %dma_wait3A_155 = tpu.memref_slice %arg7[%add3A_134, %dma_wait3A_154] : memref<44x128xi32, #tpu.memory_space<vmem>> -> memref<1x128xi32, #tpu.memory_space<vmem>>
        %dma_wait3A_156 = tpu.memref_squeeze %dma_wait3A_155 : memref<1x128xi32, #tpu.memory_space<vmem>> -> memref<128xi32, #tpu.memory_space<vmem>>
        %dma_wait3A_157 = arith.constant 0 : i32
        %dma_wait3A_158 = arith.constant 0 : i32
        %dma_wait3A_159 = tpu.memref_slice %arg16[%dma_wait3A_157, %dma_wait3A_158] : memref<10112x48xf32, #tpu.memory_space<vmem_shared>> -> memref<10112x48xf32, #tpu.memory_space<vmem_shared>>
        tpu.wait_indirect_dma semaphore(%run_scoped3A : memref<!tpu.dma_semaphore, #tpu.memory_space<semaphore_mem>>) src(%arg11 : memref<128x48xf32, #tpu.memory_space<vmem>>) dst(%dma_wait3A_159 : memref<10112x48xf32, #tpu.memory_space<vmem_shared>>)
        tpu.yield
      }) : () -> ()
      %sub3A_141 = arith.constant 4 : i32
      %sub3A_142 = arith.subi %select_n3A, %sub3A_141 : i32
      %lt3A_143 = arith.cmpi slt, %add3A_134, %sub3A_142 : i32
      %convert_element_type3A_144 = arith.extui %lt3A_143 : i1 to i32
      %cond3A_145 = arith.constant 0 : i32
      %cond3A_146 = arith.cmpi ne, %convert_element_type3A_144, %cond3A_145 : i32
      scf.if %cond3A_146 {
        %add3A_148 = arith.constant 4 : i32
        %add3A_149 = arith.addi %add3A_134, %add3A_148 : i32
        %dma_start3A_150 = arith.constant 0 : i32
        %dma_start3A_151 = tpu.memref_slice %arg6[%add3A_149, %dma_start3A_150] : memref<44x128xi32, #tpu.memory_space<vmem>> -> memref<1x128xi32, #tpu.memory_space<vmem>>
        %dma_start3A_152 = tpu.memref_squeeze %dma_start3A_151 : memref<1x128xi32, #tpu.memory_space<vmem>> -> memref<128xi32, #tpu.memory_space<vmem>>
        %dma_start3A_153 = arith.constant 0 : i32
        %dma_start3A_154 = arith.constant 0 : i32
        %dma_start3A_155 = tpu.memref_slice %arg2[%dma_start3A_153, %dma_start3A_154] : memref<10000x48xf32, #tpu.memory_space<hbm>> -> memref<10000x48xf32, #tpu.memory_space<hbm>>
        tpu.enqueue_indirect_dma source(%dma_start3A_155 : memref<10000x48xf32, #tpu.memory_space<hbm>>) target(%arg11 : memref<128x48xf32, #tpu.memory_space<vmem>>) offsets(%dma_start3A_152 : memref<128xi32, #tpu.memory_space<vmem>>) semaphore(%arg15 : memref<!tpu.dma_semaphore, #tpu.memory_space<semaphore_mem>>)
      } else {
      }
      %while3A_147 = arith.constant 0 : i32
      scf.yield %while3A_147 : i32
    }
    %while3A_75 = arith.constant 1 : i32
    %while3A_76 = scf.for %while3A_85 = %while3A_72 to %while3A_68 step %while3A_75 iter_args(%while3A_86 = %while3A_74) -> (i32)  : i32 {
      %mul3A_87 = arith.constant 4 : i32
      %mul3A_88 = arith.muli %while3A_85, %mul3A_87 : i32
      %add3A_89 = arith.constant 0 : i32
      %add3A_90 = arith.addi %mul3A_88, %add3A_89 : i32
      %dma_wait3A = arith.constant 0 : i32
      %dma_wait3A_91 = tpu.memref_slice %arg6[%add3A_90, %dma_wait3A] : memref<44x128xi32, #tpu.memory_space<vmem>> -> memref<1x128xi32, #tpu.memory_space<vmem>>
      %dma_wait3A_92 = tpu.memref_squeeze %dma_wait3A_91 : memref<1x128xi32, #tpu.memory_space<vmem>> -> memref<128xi32, #tpu.memory_space<vmem>>
      %dma_wait3A_93 = arith.constant 0 : i32
      %dma_wait3A_94 = arith.constant 0 : i32
      %dma_wait3A_95 = tpu.memref_slice %arg2[%dma_wait3A_93, %dma_wait3A_94] : memref<10000x48xf32, #tpu.memory_space<hbm>> -> memref<10000x48xf32, #tpu.memory_space<hbm>>
      tpu.wait_indirect_dma semaphore(%arg12 : memref<!tpu.dma_semaphore, #tpu.memory_space<semaphore_mem>>) src(%dma_wait3A_95 : memref<10000x48xf32, #tpu.memory_space<hbm>>) dst(%arg8 : memref<128x48xf32, #tpu.memory_space<vmem>>)
      "tpu.region"() ({
        %run_scoped3A = tpu.sem_alloc : memref<!tpu.dma_semaphore, #tpu.memory_space<semaphore_mem>>
        %dma_start3A_148 = arith.constant 0 : i32
        %dma_start3A_149 = tpu.memref_slice %arg7[%add3A_90, %dma_start3A_148] : memref<44x128xi32, #tpu.memory_space<vmem>> -> memref<1x128xi32, #tpu.memory_space<vmem>>
        %dma_start3A_150 = tpu.memref_squeeze %dma_start3A_149 : memref<1x128xi32, #tpu.memory_space<vmem>> -> memref<128xi32, #tpu.memory_space<vmem>>
        %dma_start3A_151 = arith.constant 0 : i32
        %dma_start3A_152 = arith.constant 0 : i32
        %dma_start3A_153 = tpu.memref_slice %arg16[%dma_start3A_151, %dma_start3A_152] : memref<10112x48xf32, #tpu.memory_space<vmem_shared>> -> memref<10112x48xf32, #tpu.memory_space<vmem_shared>>
        tpu.enqueue_indirect_dma source(%arg8 : memref<128x48xf32, #tpu.memory_space<vmem>>) target(%dma_start3A_153 : memref<10112x48xf32, #tpu.memory_space<vmem_shared>>) offsets(%dma_start3A_150 : memref<128xi32, #tpu.memory_space<vmem>>) semaphore(%run_scoped3A : memref<!tpu.dma_semaphore, #tpu.memory_space<semaphore_mem>>) {add = true}
        %dma_wait3A_154 = arith.constant 0 : i32
        %dma_wait3A_155 = tpu.memref_slice %arg7[%add3A_90, %dma_wait3A_154] : memref<44x128xi32, #tpu.memory_space<vmem>> -> memref<1x128xi32, #tpu.memory_space<vmem>>
        %dma_wait3A_156 = tpu.memref_squeeze %dma_wait3A_155 : memref<1x128xi32, #tpu.memory_space<vmem>> -> memref<128xi32, #tpu.memory_space<vmem>>
        %dma_wait3A_157 = arith.constant 0 : i32
        %dma_wait3A_158 = arith.constant 0 : i32
        %dma_wait3A_159 = tpu.memref_slice %arg16[%dma_wait3A_157, %dma_wait3A_158] : memref<10112x48xf32, #tpu.memory_space<vmem_shared>> -> memref<10112x48xf32, #tpu.memory_space<vmem_shared>>
        tpu.wait_indirect_dma semaphore(%run_scoped3A : memref<!tpu.dma_semaphore, #tpu.memory_space<semaphore_mem>>) src(%arg8 : memref<128x48xf32, #tpu.memory_space<vmem>>) dst(%dma_wait3A_159 : memref<10112x48xf32, #tpu.memory_space<vmem_shared>>)
        tpu.yield
      }) : () -> ()
      %sub3A_96 = arith.constant 4 : i32
      %sub3A_97 = arith.subi %select_n3A, %sub3A_96 : i32
      %lt3A = arith.cmpi slt, %add3A_90, %sub3A_97 : i32
      %convert_element_type3A = arith.extui %lt3A : i1 to i32
      %cond3A = arith.constant 0 : i32
      %cond3A_98 = arith.cmpi ne, %convert_element_type3A, %cond3A : i32
      scf.if %cond3A_98 {
        %add3A_148 = arith.constant 4 : i32
        %add3A_149 = arith.addi %add3A_90, %add3A_148 : i32
        %dma_start3A_150 = arith.constant 0 : i32
        %dma_start3A_151 = tpu.memref_slice %arg6[%add3A_149, %dma_start3A_150] : memref<44x128xi32, #tpu.memory_space<vmem>> -> memref<1x128xi32, #tpu.memory_space<vmem>>
        %dma_start3A_152 = tpu.memref_squeeze %dma_start3A_151 : memref<1x128xi32, #tpu.memory_space<vmem>> -> memref<128xi32, #tpu.memory_space<vmem>>
        %dma_start3A_153 = arith.constant 0 : i32
        %dma_start3A_154 = arith.constant 0 : i32
        %dma_start3A_155 = tpu.memref_slice %arg2[%dma_start3A_153, %dma_start3A_154] : memref<10000x48xf32, #tpu.memory_space<hbm>> -> memref<10000x48xf32, #tpu.memory_space<hbm>>
        tpu.enqueue_indirect_dma source(%dma_start3A_155 : memref<10000x48xf32, #tpu.memory_space<hbm>>) target(%arg8 : memref<128x48xf32, #tpu.memory_space<vmem>>) offsets(%dma_start3A_152 : memref<128xi32, #tpu.memory_space<vmem>>) semaphore(%arg12 : memref<!tpu.dma_semaphore, #tpu.memory_space<semaphore_mem>>)
      } else {
      }
      %mul3A_99 = arith.constant 4 : i32
      %mul3A_100 = arith.muli %while3A_85, %mul3A_99 : i32
      %add3A_101 = arith.constant 1 : i32
      %add3A_102 = arith.addi %mul3A_100, %add3A_101 : i32
      %dma_wait3A_103 = arith.constant 0 : i32
      %dma_wait3A_104 = tpu.memref_slice %arg6[%add3A_102, %dma_wait3A_103] : memref<44x128xi32, #tpu.memory_space<vmem>> -> memref<1x128xi32, #tpu.memory_space<vmem>>
      %dma_wait3A_105 = tpu.memref_squeeze %dma_wait3A_104 : memref<1x128xi32, #tpu.memory_space<vmem>> -> memref<128xi32, #tpu.memory_space<vmem>>
      %dma_wait3A_106 = arith.constant 0 : i32
      %dma_wait3A_107 = arith.constant 0 : i32
      %dma_wait3A_108 = tpu.memref_slice %arg2[%dma_wait3A_106, %dma_wait3A_107] : memref<10000x48xf32, #tpu.memory_space<hbm>> -> memref<10000x48xf32, #tpu.memory_space<hbm>>
      tpu.wait_indirect_dma semaphore(%arg13 : memref<!tpu.dma_semaphore, #tpu.memory_space<semaphore_mem>>) src(%dma_wait3A_108 : memref<10000x48xf32, #tpu.memory_space<hbm>>) dst(%arg9 : memref<128x48xf32, #tpu.memory_space<vmem>>)
      "tpu.region"() ({
        %run_scoped3A = tpu.sem_alloc : memref<!tpu.dma_semaphore, #tpu.memory_space<semaphore_mem>>
        %dma_start3A_148 = arith.constant 0 : i32
        %dma_start3A_149 = tpu.memref_slice %arg7[%add3A_102, %dma_start3A_148] : memref<44x128xi32, #tpu.memory_space<vmem>> -> memref<1x128xi32, #tpu.memory_space<vmem>>
        %dma_start3A_150 = tpu.memref_squeeze %dma_start3A_149 : memref<1x128xi32, #tpu.memory_space<vmem>> -> memref<128xi32, #tpu.memory_space<vmem>>
        %dma_start3A_151 = arith.constant 0 : i32
        %dma_start3A_152 = arith.constant 0 : i32
        %dma_start3A_153 = tpu.memref_slice %arg16[%dma_start3A_151, %dma_start3A_152] : memref<10112x48xf32, #tpu.memory_space<vmem_shared>> -> memref<10112x48xf32, #tpu.memory_space<vmem_shared>>
        tpu.enqueue_indirect_dma source(%arg9 : memref<128x48xf32, #tpu.memory_space<vmem>>) target(%dma_start3A_153 : memref<10112x48xf32, #tpu.memory_space<vmem_shared>>) offsets(%dma_start3A_150 : memref<128xi32, #tpu.memory_space<vmem>>) semaphore(%run_scoped3A : memref<!tpu.dma_semaphore, #tpu.memory_space<semaphore_mem>>) {add = true}
        %dma_wait3A_154 = arith.constant 0 : i32
        %dma_wait3A_155 = tpu.memref_slice %arg7[%add3A_102, %dma_wait3A_154] : memref<44x128xi32, #tpu.memory_space<vmem>> -> memref<1x128xi32, #tpu.memory_space<vmem>>
        %dma_wait3A_156 = tpu.memref_squeeze %dma_wait3A_155 : memref<1x128xi32, #tpu.memory_space<vmem>> -> memref<128xi32, #tpu.memory_space<vmem>>
        %dma_wait3A_157 = arith.constant 0 : i32
        %dma_wait3A_158 = arith.constant 0 : i32
        %dma_wait3A_159 = tpu.memref_slice %arg16[%dma_wait3A_157, %dma_wait3A_158] : memref<10112x48xf32, #tpu.memory_space<vmem_shared>> -> memref<10112x48xf32, #tpu.memory_space<vmem_shared>>
        tpu.wait_indirect_dma semaphore(%run_scoped3A : memref<!tpu.dma_semaphore, #tpu.memory_space<semaphore_mem>>) src(%arg9 : memref<128x48xf32, #tpu.memory_space<vmem>>) dst(%dma_wait3A_159 : memref<10112x48xf32, #tpu.memory_space<vmem_shared>>)
        tpu.yield
      }) : () -> ()
      %sub3A_109 = arith.constant 4 : i32
      %sub3A_110 = arith.subi %select_n3A, %sub3A_109 : i32
      %lt3A_111 = arith.cmpi slt, %add3A_102, %sub3A_110 : i32
      %convert_element_type3A_112 = arith.extui %lt3A_111 : i1 to i32
      %cond3A_113 = arith.constant 0 : i32
      %cond3A_114 = arith.cmpi ne, %convert_element_type3A_112, %cond3A_113 : i32
      scf.if %cond3A_114 {
        %add3A_148 = arith.constant 4 : i32
        %add3A_149 = arith.addi %add3A_102, %add3A_148 : i32
        %dma_start3A_150 = arith.constant 0 : i32
        %dma_start3A_151 = tpu.memref_slice %arg6[%add3A_149, %dma_start3A_150] : memref<44x128xi32, #tpu.memory_space<vmem>> -> memref<1x128xi32, #tpu.memory_space<vmem>>
        %dma_start3A_152 = tpu.memref_squeeze %dma_start3A_151 : memref<1x128xi32, #tpu.memory_space<vmem>> -> memref<128xi32, #tpu.memory_space<vmem>>
        %dma_start3A_153 = arith.constant 0 : i32
        %dma_start3A_154 = arith.constant 0 : i32
        %dma_start3A_155 = tpu.memref_slice %arg2[%dma_start3A_153, %dma_start3A_154] : memref<10000x48xf32, #tpu.memory_space<hbm>> -> memref<10000x48xf32, #tpu.memory_space<hbm>>
        tpu.enqueue_indirect_dma source(%dma_start3A_155 : memref<10000x48xf32, #tpu.memory_space<hbm>>) target(%arg9 : memref<128x48xf32, #tpu.memory_space<vmem>>) offsets(%dma_start3A_152 : memref<128xi32, #tpu.memory_space<vmem>>) semaphore(%arg13 : memref<!tpu.dma_semaphore, #tpu.memory_space<semaphore_mem>>)
      } else {
      }
      %mul3A_115 = arith.constant 4 : i32
      %mul3A_116 = arith.muli %while3A_85, %mul3A_115 : i32
      %add3A_117 = arith.constant 2 : i32
      %add3A_118 = arith.addi %mul3A_116, %add3A_117 : i32
      %dma_wait3A_119 = arith.constant 0 : i32
      %dma_wait3A_120 = tpu.memref_slice %arg6[%add3A_118, %dma_wait3A_119] : memref<44x128xi32, #tpu.memory_space<vmem>> -> memref<1x128xi32, #tpu.memory_space<vmem>>
      %dma_wait3A_121 = tpu.memref_squeeze %dma_wait3A_120 : memref<1x128xi32, #tpu.memory_space<vmem>> -> memref<128xi32, #tpu.memory_space<vmem>>
      %dma_wait3A_122 = arith.constant 0 : i32
      %dma_wait3A_123 = arith.constant 0 : i32
      %dma_wait3A_124 = tpu.memref_slice %arg2[%dma_wait3A_122, %dma_wait3A_123] : memref<10000x48xf32, #tpu.memory_space<hbm>> -> memref<10000x48xf32, #tpu.memory_space<hbm>>
      tpu.wait_indirect_dma semaphore(%arg14 : memref<!tpu.dma_semaphore, #tpu.memory_space<semaphore_mem>>) src(%dma_wait3A_124 : memref<10000x48xf32, #tpu.memory_space<hbm>>) dst(%arg10 : memref<128x48xf32, #tpu.memory_space<vmem>>)
      "tpu.region"() ({
        %run_scoped3A = tpu.sem_alloc : memref<!tpu.dma_semaphore, #tpu.memory_space<semaphore_mem>>
        %dma_start3A_148 = arith.constant 0 : i32
        %dma_start3A_149 = tpu.memref_slice %arg7[%add3A_118, %dma_start3A_148] : memref<44x128xi32, #tpu.memory_space<vmem>> -> memref<1x128xi32, #tpu.memory_space<vmem>>
        %dma_start3A_150 = tpu.memref_squeeze %dma_start3A_149 : memref<1x128xi32, #tpu.memory_space<vmem>> -> memref<128xi32, #tpu.memory_space<vmem>>
        %dma_start3A_151 = arith.constant 0 : i32
        %dma_start3A_152 = arith.constant 0 : i32
        %dma_start3A_153 = tpu.memref_slice %arg16[%dma_start3A_151, %dma_start3A_152] : memref<10112x48xf32, #tpu.memory_space<vmem_shared>> -> memref<10112x48xf32, #tpu.memory_space<vmem_shared>>
        tpu.enqueue_indirect_dma source(%arg10 : memref<128x48xf32, #tpu.memory_space<vmem>>) target(%dma_start3A_153 : memref<10112x48xf32, #tpu.memory_space<vmem_shared>>) offsets(%dma_start3A_150 : memref<128xi32, #tpu.memory_space<vmem>>) semaphore(%run_scoped3A : memref<!tpu.dma_semaphore, #tpu.memory_space<semaphore_mem>>) {add = true}
        %dma_wait3A_154 = arith.constant 0 : i32
        %dma_wait3A_155 = tpu.memref_slice %arg7[%add3A_118, %dma_wait3A_154] : memref<44x128xi32, #tpu.memory_space<vmem>> -> memref<1x128xi32, #tpu.memory_space<vmem>>
        %dma_wait3A_156 = tpu.memref_squeeze %dma_wait3A_155 : memref<1x128xi32, #tpu.memory_space<vmem>> -> memref<128xi32, #tpu.memory_space<vmem>>
        %dma_wait3A_157 = arith.constant 0 : i32
        %dma_wait3A_158 = arith.constant 0 : i32
        %dma_wait3A_159 = tpu.memref_slice %arg16[%dma_wait3A_157, %dma_wait3A_158] : memref<10112x48xf32, #tpu.memory_space<vmem_shared>> -> memref<10112x48xf32, #tpu.memory_space<vmem_shared>>
        tpu.wait_indirect_dma semaphore(%run_scoped3A : memref<!tpu.dma_semaphore, #tpu.memory_space<semaphore_mem>>) src(%arg10 : memref<128x48xf32, #tpu.memory_space<vmem>>) dst(%dma_wait3A_159 : memref<10112x48xf32, #tpu.memory_space<vmem_shared>>)
        tpu.yield
      }) : () -> ()
      %sub3A_125 = arith.constant 4 : i32
      %sub3A_126 = arith.subi %select_n3A, %sub3A_125 : i32
      %lt3A_127 = arith.cmpi slt, %add3A_118, %sub3A_126 : i32
      %convert_element_type3A_128 = arith.extui %lt3A_127 : i1 to i32
      %cond3A_129 = arith.constant 0 : i32
      %cond3A_130 = arith.cmpi ne, %convert_element_type3A_128, %cond3A_129 : i32
      scf.if %cond3A_130 {
        %add3A_148 = arith.constant 4 : i32
        %add3A_149 = arith.addi %add3A_118, %add3A_148 : i32
        %dma_start3A_150 = arith.constant 0 : i32
        %dma_start3A_151 = tpu.memref_slice %arg6[%add3A_149, %dma_start3A_150] : memref<44x128xi32, #tpu.memory_space<vmem>> -> memref<1x128xi32, #tpu.memory_space<vmem>>
        %dma_start3A_152 = tpu.memref_squeeze %dma_start3A_151 : memref<1x128xi32, #tpu.memory_space<vmem>> -> memref<128xi32, #tpu.memory_space<vmem>>
        %dma_start3A_153 = arith.constant 0 : i32
        %dma_start3A_154 = arith.constant 0 : i32
        %dma_start3A_155 = tpu.memref_slice %arg2[%dma_start3A_153, %dma_start3A_154] : memref<10000x48xf32, #tpu.memory_space<hbm>> -> memref<10000x48xf32, #tpu.memory_space<hbm>>
        tpu.enqueue_indirect_dma source(%dma_start3A_155 : memref<10000x48xf32, #tpu.memory_space<hbm>>) target(%arg10 : memref<128x48xf32, #tpu.memory_space<vmem>>) offsets(%dma_start3A_152 : memref<128xi32, #tpu.memory_space<vmem>>) semaphore(%arg14 : memref<!tpu.dma_semaphore, #tpu.memory_space<semaphore_mem>>)
      } else {
      }
      %mul3A_131 = arith.constant 4 : i32
      %mul3A_132 = arith.muli %while3A_85, %mul3A_131 : i32
      %add3A_133 = arith.constant 3 : i32
      %add3A_134 = arith.addi %mul3A_132, %add3A_133 : i32
      %dma_wait3A_135 = arith.constant 0 : i32
      %dma_wait3A_136 = tpu.memref_slice %arg6[%add3A_134, %dma_wait3A_135] : memref<44x128xi32, #tpu.memory_space<vmem>> -> memref<1x128xi32, #tpu.memory_space<vmem>>
      %dma_wait3A_137 = tpu.memref_squeeze %dma_wait3A_136 : memref<1x128xi32, #tpu.memory_space<vmem>> -> memref<128xi32, #tpu.memory_space<vmem>>
      %dma_wait3A_138 = arith.constant 0 : i32
      %dma_wait3A_139 = arith.constant 0 : i32
      %dma_wait3A_140 = tpu.memref_slice %arg2[%dma_wait3A_138, %dma_wait3A_139] : memref<10000x48xf32, #tpu.memory_space<hbm>> -> memref<10000x48xf32, #tpu.memory_space<hbm>>
      tpu.wait_indirect_dma semaphore(%arg15 : memref<!tpu.dma_semaphore, #tpu.memory_space<semaphore_mem>>) src(%dma_wait3A_140 : memref<10000x48xf32, #tpu.memory_space<hbm>>) dst(%arg11 : memref<128x48xf32, #tpu.memory_space<vmem>>)
      "tpu.region"() ({
        %run_scoped3A = tpu.sem_alloc : memref<!tpu.dma_semaphore, #tpu.memory_space<semaphore_mem>>
        %dma_start3A_148 = arith.constant 0 : i32
        %dma_start3A_149 = tpu.memref_slice %arg7[%add3A_134, %dma_start3A_148] : memref<44x128xi32, #tpu.memory_space<vmem>> -> memref<1x128xi32, #tpu.memory_space<vmem>>
        %dma_start3A_150 = tpu.memref_squeeze %dma_start3A_149 : memref<1x128xi32, #tpu.memory_space<vmem>> -> memref<128xi32, #tpu.memory_space<vmem>>
        %dma_start3A_151 = arith.constant 0 : i32
        %dma_start3A_152 = arith.constant 0 : i32
        %dma_start3A_153 = tpu.memref_slice %arg16[%dma_start3A_151, %dma_start3A_152] : memref<10112x48xf32, #tpu.memory_space<vmem_shared>> -> memref<10112x48xf32, #tpu.memory_space<vmem_shared>>
        tpu.enqueue_indirect_dma source(%arg11 : memref<128x48xf32, #tpu.memory_space<vmem>>) target(%dma_start3A_153 : memref<10112x48xf32, #tpu.memory_space<vmem_shared>>) offsets(%dma_start3A_150 : memref<128xi32, #tpu.memory_space<vmem>>) semaphore(%run_scoped3A : memref<!tpu.dma_semaphore, #tpu.memory_space<semaphore_mem>>) {add = true}
        %dma_wait3A_154 = arith.constant 0 : i32
        %dma_wait3A_155 = tpu.memref_slice %arg7[%add3A_134, %dma_wait3A_154] : memref<44x128xi32, #tpu.memory_space<vmem>> -> memref<1x128xi32, #tpu.memory_space<vmem>>
        %dma_wait3A_156 = tpu.memref_squeeze %dma_wait3A_155 : memref<1x128xi32, #tpu.memory_space<vmem>> -> memref<128xi32, #tpu.memory_space<vmem>>
        %dma_wait3A_157 = arith.constant 0 : i32
        %dma_wait3A_158 = arith.constant 0 : i32
        %dma_wait3A_159 = tpu.memref_slice %arg16[%dma_wait3A_157, %dma_wait3A_158] : memref<10112x48xf32, #tpu.memory_space<vmem_shared>> -> memref<10112x48xf32, #tpu.memory_space<vmem_shared>>
        tpu.wait_indirect_dma semaphore(%run_scoped3A : memref<!tpu.dma_semaphore, #tpu.memory_space<semaphore_mem>>) src(%arg11 : memref<128x48xf32, #tpu.memory_space<vmem>>) dst(%dma_wait3A_159 : memref<10112x48xf32, #tpu.memory_space<vmem_shared>>)
        tpu.yield
      }) : () -> ()
      %sub3A_141 = arith.constant 4 : i32
      %sub3A_142 = arith.subi %select_n3A, %sub3A_141 : i32
      %lt3A_143 = arith.cmpi slt, %add3A_134, %sub3A_142 : i32
      %convert_element_type3A_144 = arith.extui %lt3A_143 : i1 to i32
      %cond3A_145 = arith.constant 0 : i32
      %cond3A_146 = arith.cmpi ne, %convert_element_type3A_144, %cond3A_145 : i32
      scf.if %cond3A_146 {
        %add3A_148 = arith.constant 4 : i32
        %add3A_149 = arith.addi %add3A_134, %add3A_148 : i32
        %dma_start3A_150 = arith.constant 0 : i32
        %dma_start3A_151 = tpu.memref_slice %arg6[%add3A_149, %dma_start3A_150] : memref<44x128xi32, #tpu.memory_space<vmem>> -> memref<1x128xi32, #tpu.memory_space<vmem>>
        %dma_start3A_152 = tpu.memref_squeeze %dma_start3A_151 : memref<1x128xi32, #tpu.memory_space<vmem>> -> memref<128xi32, #tpu.memory_space<vmem>>
        %dma_start3A_153 = arith.constant 0 : i32
        %dma_start3A_154 = arith.constant 0 : i32
        %dma_start3A_155 = tpu.memref_slice %arg2[%dma_start3A_153, %dma_start3A_154] : memref<10000x48xf32, #tpu.memory_space<hbm>> -> memref<10000x48xf32, #tpu.memory_space<hbm>>
        tpu.enqueue_indirect_dma source(%dma_start3A_155 : memref<10000x48xf32, #tpu.memory_space<hbm>>) target(%arg11 : memref<128x48xf32, #tpu.memory_space<vmem>>) offsets(%dma_start3A_152 : memref<128xi32, #tpu.memory_space<vmem>>) semaphore(%arg15 : memref<!tpu.dma_semaphore, #tpu.memory_space<semaphore_mem>>)
      } else {
      }
      %while3A_147 = arith.constant 0 : i32
      scf.yield %while3A_147 : i32
    }
    %barrier3A_77 = arith.constant 0 : index
    tpu.barrier barrier_id(%barrier3A_77)
    %mul3A_78 = arith.constant 632 : i32
    %mul3A_79 = arith.muli %arg1, %mul3A_78 : i32
    %mul3A_80 = arith.constant 10112 : i32
    %mul3A_81 = arith.muli %arg0, %mul3A_80 : i32
    %mul3A_82 = arith.constant 632 : i32
    %mul3A_83 = arith.muli %arg1, %mul3A_82 : i32
    %add3A_84 = arith.addi %mul3A_81, %mul3A_83 : i32
    "tpu.region"() ({
      %run_scoped3A = tpu.sem_alloc : memref<!tpu.dma_semaphore, #tpu.memory_space<semaphore_mem>>
      %dma_start3A_85 = arith.constant 0 : i32
      %dma_start3A_86 = tpu.memref_slice %arg5[%add3A_84, %dma_start3A_85] : memref<20224x48xf32, #tpu.memory_space<hbm>> -> memref<632x48xf32, #tpu.memory_space<hbm>>
      %dma_start3A_87 = arith.constant 0 : i32
      %dma_start3A_88 = tpu.memref_slice %arg16[%mul3A_79, %dma_start3A_87] : memref<10112x48xf32, #tpu.memory_space<vmem_shared>> -> memref<632x48xf32, #tpu.memory_space<vmem_shared>>
      tpu.enqueue_dma source(%dma_start3A_88 : memref<632x48xf32, #tpu.memory_space<vmem_shared>>) target(%dma_start3A_86 : memref<632x48xf32, #tpu.memory_space<hbm>>) target_semaphore(%run_scoped3A : memref<!tpu.dma_semaphore, #tpu.memory_space<semaphore_mem>>)
      %dma_wait3A = arith.constant 0 : i32
      %dma_wait3A_89 = tpu.memref_slice %arg5[%add3A_84, %dma_wait3A] : memref<20224x48xf32, #tpu.memory_space<hbm>> -> memref<632x48xf32, #tpu.memory_space<hbm>>
      %dma_wait3A_90 = arith.constant 0 : i32
      %dma_wait3A_91 = tpu.memref_slice %arg16[%mul3A_79, %dma_wait3A_90] : memref<10112x48xf32, #tpu.memory_space<vmem_shared>> -> memref<632x48xf32, #tpu.memory_space<vmem_shared>>
      tpu.wait_dma2 semaphore(%run_scoped3A : memref<!tpu.dma_semaphore, #tpu.memory_space<semaphore_mem>>) src(%dma_wait3A_91 : memref<632x48xf32, #tpu.memory_space<vmem_shared>>) dst(%dma_wait3A_89 : memref<632x48xf32, #tpu.memory_space<hbm>>)
      tpu.yield
    }) : () -> ()
    return
  }
}

module attributes {stable_mosaic.version = 14 : i64} {
  func.func @body(%arg0: i32, %arg1: memref<1000x256xf32, #tpu.memory_space<vmem>>, %arg2: memref<256x128xf32, #tpu.memory_space<vmem>>, %arg3: memref<1000x128xf32, #tpu.memory_space<vmem>>) attributes {dimension_semantics = [#tpu.dimension_semantics<arbitrary>], iteration_bounds = array<i64: 10>, scalar_prefetch = 0 : i64, scratch_operands = 0 : i64, tpu.core_type = #tpu.core_type<tc>, window_params = [{transform_indices = @transform_0, window_bounds = array<i64: 1000, 256>}, {pipeline_mode = #tpu.pipeline_mode<synchronous>, transform_indices = @transform_1, window_bounds = array<i64: 256, 128>}, {transform_indices = @transform_2, window_bounds = array<i64: 1000, 128>}]} {
    %get3A = arith.constant 0 : index
    %get3A_0 = arith.constant 0 : index
    %get3A_1 = vector.load %arg1[%get3A, %get3A_0] : memref<1000x256xf32, #tpu.memory_space<vmem>>, vector<1000x256xf32>
    %get3A_2 = arith.constant 0 : index
    %get3A_3 = arith.constant 0 : index
    %get3A_4 = vector.load %arg2[%get3A_2, %get3A_3] : memref<256x128xf32, #tpu.memory_space<vmem>>, vector<256x128xf32>
    %dot_general3A = arith.constant dense<0.000000e+00> : vector<1000x128xf32>
    %dot_general3A_5 = tpu.matmul %get3A_1, %get3A_4, %dot_general3A {dimension_numbers = #tpu.dot_dimension_numbers<[1], [0], [0], [1], [0, 0, 1, 1], [], []>, transpose_lhs_hint = false} : vector<1000x256xf32>, vector<256x128xf32>, vector<1000x128xf32> -> vector<1000x128xf32>
    %swap3A = arith.constant 0 : index
    %swap3A_6 = arith.constant 0 : index
    %swap3A_7 = vector.load %arg3[%swap3A, %swap3A_6] : memref<1000x128xf32, #tpu.memory_space<vmem>>, vector<1000x128xf32>
    tpu.vector_store %arg3[%swap3A, %swap3A_6], %dot_general3A_5 {strides = array<i32>} : memref<1000x128xf32, #tpu.memory_space<vmem>>, vector<1000x128xf32>,
    return
  }
  func.func @transform_0(%arg0: i32) -> (i32, i32) {
    %c0_i32 = arith.constant 0 : i32
    %c0_i32_0 = arith.constant 0 : i32
    return %arg0, %c0_i32 : i32, i32
  }
  func.func @transform_1(%arg0: i32) -> (i32, i32) {
    %c0_i32 = arith.constant 0 : i32
    %c0_i32_0 = arith.constant 0 : i32
    %c0_i32_1 = arith.constant 0 : i32
    return %c0_i32, %c0_i32_0 : i32, i32
  }
  func.func @transform_2(%arg0: i32) -> (i32, i32) {
    %c0_i32 = arith.constant 0 : i32
    %c0_i32_0 = arith.constant 0 : i32
    return %arg0, %c0_i32 : i32, i32
  }
}

module attributes {stable_mosaic.version = 14 : i64} {
  func.func @body(%arg0: i32, %arg1: memref<1x1000x128xf32, #tpu.memory_space<vmem>>, %arg2: memref<1x1000x128xf32, #tpu.memory_space<vmem>>, %arg3: memref<1000x1xf32, #tpu.memory_space<vmem>>, %arg4: memref<1x128xf32, #tpu.memory_space<vmem>>, %arg5: memref<128x48xf32, #tpu.memory_space<vmem>>, %arg6: memref<1000x48xf32, #tpu.memory_space<vmem>>) attributes {dimension_semantics = [#tpu.dimension_semantics<arbitrary>], iteration_bounds = array<i64: 10>, scalar_prefetch = 0 : i64, scratch_operands = 0 : i64, tpu.core_type = #tpu.core_type<tc>, window_params = [{transform_indices = @transform_0, window_bounds = array<i64: 1, 1000, 128>}, {transform_indices = @transform_1, window_bounds = array<i64: 1, 1000, 128>}, {transform_indices = @transform_2, window_bounds = array<i64: 1000, 1>}, {pipeline_mode = #tpu.pipeline_mode<synchronous>, transform_indices = @transform_3, window_bounds = array<i64: 1, 128>}, {pipeline_mode = #tpu.pipeline_mode<synchronous>, transform_indices = @transform_4, window_bounds = array<i64: 128, 48>}, {transform_indices = @transform_5, window_bounds = array<i64: 1000, 48>}]} {
    %get3A = arith.constant 0 : index
    %get3A_0 = arith.constant 0 : index
    %get3A_1 = arith.constant 0 : index
    %get3A_2 = vector.load %arg1[%get3A, %get3A_0, %get3A_1] : memref<1x1000x128xf32, #tpu.memory_space<vmem>>, vector<1x1000x128xf32>
    %get3A_3 = vector.shape_cast %get3A_2 : vector<1x1000x128xf32> to vector<1000x128xf32>
    %get3A_4 = arith.constant 0 : index
    %get3A_5 = arith.constant 0 : index
    %get3A_6 = arith.constant 0 : index
    %get3A_7 = vector.load %arg2[%get3A_4, %get3A_5, %get3A_6] : memref<1x1000x128xf32, #tpu.memory_space<vmem>>, vector<1x1000x128xf32>
    %get3A_8 = vector.shape_cast %get3A_7 : vector<1x1000x128xf32> to vector<1000x128xf32>
    %add3A = arith.addf %get3A_3, %get3A_8 : vector<1000x128xf32>
    %get3A_9 = arith.constant 0 : index
    %get3A_10 = arith.constant 0 : index
    %get3A_11 = vector.load %arg3[%get3A_9, %get3A_10] : memref<1000x1xf32, #tpu.memory_space<vmem>>, vector<1000x1xf32>
    %mul3A = vector.broadcast %get3A_11 : vector<1000x1xf32> to vector<1000x128xf32>
    %mul3A_12 = arith.mulf %add3A, %mul3A : vector<1000x128xf32>
    %get3A_13 = arith.constant 0 : index
    %get3A_14 = arith.constant 0 : index
    %get3A_15 = vector.load %arg4[%get3A_13, %get3A_14] : memref<1x128xf32, #tpu.memory_space<vmem>>, vector<1x128xf32>
    %add3A_16 = vector.broadcast %get3A_15 : vector<1x128xf32> to vector<1000x128xf32>
    %add3A_17 = arith.addf %mul3A_12, %add3A_16 : vector<1000x128xf32>
    %max3A = arith.constant 0.000000e+00 : f32
    %max3A_18 = vector.broadcast %max3A : f32 to vector<1000x128xf32>
    %max3A_19 = arith.maximumf %add3A_17, %max3A_18 : vector<1000x128xf32>
    %get3A_20 = arith.constant 0 : index
    %get3A_21 = arith.constant 0 : index
    %get3A_22 = vector.load %arg5[%get3A_20, %get3A_21] : memref<128x48xf32, #tpu.memory_space<vmem>>, vector<128x48xf32>
    %dot_general3A = arith.constant dense<0.000000e+00> : vector<1000x48xf32>
    %dot_general3A_23 = tpu.matmul %max3A_19, %get3A_22, %dot_general3A {dimension_numbers = #tpu.dot_dimension_numbers<[1], [0], [0], [1], [0, 0, 1, 1], [], []>, transpose_lhs_hint = false} : vector<1000x128xf32>, vector<128x48xf32>, vector<1000x48xf32> -> vector<1000x48xf32>
    %mul3A_24 = vector.broadcast %get3A_11 : vector<1000x1xf32> to vector<1000x48xf32>
    %mul3A_25 = arith.mulf %dot_general3A_23, %mul3A_24 : vector<1000x48xf32>
    %swap3A = arith.constant 0 : index
    %swap3A_26 = arith.constant 0 : index
    %swap3A_27 = vector.load %arg6[%swap3A, %swap3A_26] : memref<1000x48xf32, #tpu.memory_space<vmem>>, vector<1000x48xf32>
    tpu.vector_store %arg6[%swap3A, %swap3A_26], %mul3A_25 {strides = array<i32>} : memref<1000x48xf32, #tpu.memory_space<vmem>>, vector<1000x48xf32>,
    return
  }
  func.func @transform_0(%arg0: i32) -> (i32, i32, i32) {
    %c0_i32 = arith.constant 0 : i32
    %c0_i32_0 = arith.constant 0 : i32
    %c0_i32_1 = arith.constant 0 : i32
    return %c0_i32, %arg0, %c0_i32_0 : i32, i32, i32
  }
  func.func @transform_1(%arg0: i32) -> (i32, i32, i32) {
    %c1_i32 = arith.constant 1 : i32
    %c0_i32 = arith.constant 0 : i32
    %c0_i32_0 = arith.constant 0 : i32
    return %c1_i32, %arg0, %c0_i32 : i32, i32, i32
  }
  func.func @transform_2(%arg0: i32) -> (i32, i32) {
    %c0_i32 = arith.constant 0 : i32
    %c0_i32_0 = arith.constant 0 : i32
    return %arg0, %c0_i32 : i32, i32
  }
  func.func @transform_3(%arg0: i32) -> (i32, i32) {
    %c0_i32 = arith.constant 0 : i32
    %c0_i32_0 = arith.constant 0 : i32
    %c0_i32_1 = arith.constant 0 : i32
    return %c0_i32, %c0_i32_0 : i32, i32
  }
  func.func @transform_4(%arg0: i32) -> (i32, i32) {
    %c0_i32 = arith.constant 0 : i32
    %c0_i32_0 = arith.constant 0 : i32
    %c0_i32_1 = arith.constant 0 : i32
    return %c0_i32, %c0_i32_0 : i32, i32
  }
  func.func @transform_5(%arg0: i32) -> (i32, i32) {
    %c0_i32 = arith.constant 0 : i32
    %c0_i32_0 = arith.constant 0 : i32
    return %arg0, %c0_i32 : i32, i32
  }
}

module attributes {stable_mosaic.version = 14 : i64} {
  func.func @body(%arg0: i32, %arg1: memref<1x1000x48xf32, #tpu.memory_space<vmem>>, %arg2: memref<1x1000x48xf32, #tpu.memory_space<vmem>>, %arg3: memref<1000x1xf32, #tpu.memory_space<vmem>>, %arg4: memref<1x48xf32, #tpu.memory_space<vmem>>, %arg5: memref<1000x41xf32, #tpu.memory_space<vmem>>) attributes {dimension_semantics = [#tpu.dimension_semantics<arbitrary>], iteration_bounds = array<i64: 10>, scalar_prefetch = 0 : i64, scratch_operands = 0 : i64, tpu.core_type = #tpu.core_type<tc>, window_params = [{transform_indices = @transform_0, window_bounds = array<i64: 1, 1000, 48>}, {transform_indices = @transform_1, window_bounds = array<i64: 1, 1000, 48>}, {transform_indices = @transform_2, window_bounds = array<i64: 1000, 1>}, {pipeline_mode = #tpu.pipeline_mode<synchronous>, transform_indices = @transform_3, window_bounds = array<i64: 1, 48>}, {transform_indices = @transform_4, window_bounds = array<i64: 1000, 41>}]} {
    %get3A = arith.constant 0 : index
    %get3A_0 = arith.constant 0 : index
    %get3A_1 = arith.constant 0 : index
    %get3A_2 = vector.load %arg1[%get3A, %get3A_0, %get3A_1] : memref<1x1000x48xf32, #tpu.memory_space<vmem>>, vector<1x1000x48xf32>
    %get3A_3 = vector.shape_cast %get3A_2 : vector<1x1000x48xf32> to vector<1000x48xf32>
    %get3A_4 = arith.constant 0 : index
    %get3A_5 = arith.constant 0 : index
    %get3A_6 = arith.constant 0 : index
    %get3A_7 = vector.load %arg2[%get3A_4, %get3A_5, %get3A_6] : memref<1x1000x48xf32, #tpu.memory_space<vmem>>, vector<1x1000x48xf32>
    %get3A_8 = vector.shape_cast %get3A_7 : vector<1x1000x48xf32> to vector<1000x48xf32>
    %add3A = arith.addf %get3A_3, %get3A_8 : vector<1000x48xf32>
    %get3A_9 = arith.constant 0 : index
    %get3A_10 = arith.constant 0 : index
    %get3A_11 = vector.load %arg3[%get3A_9, %get3A_10] : memref<1000x1xf32, #tpu.memory_space<vmem>>, vector<1000x1xf32>
    %mul3A = vector.broadcast %get3A_11 : vector<1000x1xf32> to vector<1000x48xf32>
    %mul3A_12 = arith.mulf %add3A, %mul3A : vector<1000x48xf32>
    %get3A_13 = arith.constant 0 : index
    %get3A_14 = arith.constant 0 : index
    %get3A_15 = vector.load %arg4[%get3A_13, %get3A_14] : memref<1x48xf32, #tpu.memory_space<vmem>>, vector<1x48xf32>
    %add3A_16 = vector.broadcast %get3A_15 : vector<1x48xf32> to vector<1000x48xf32>
    %add3A_17 = arith.addf %mul3A_12, %add3A_16 : vector<1000x48xf32>
    %slice3A = vector.extract_strided_slice %add3A_17 {offsets = [0, 0], sizes = [1000, 41], strides = [1, 1]} : vector<1000x48xf32> to vector<1000x41xf32>
    %swap3A = arith.constant 0 : index
    %swap3A_18 = arith.constant 0 : index
    %swap3A_19 = vector.load %arg5[%swap3A, %swap3A_18] : memref<1000x41xf32, #tpu.memory_space<vmem>>, vector<1000x41xf32>
    tpu.vector_store %arg5[%swap3A, %swap3A_18], %slice3A {strides = array<i32>} : memref<1000x41xf32, #tpu.memory_space<vmem>>, vector<1000x41xf32>,
    return
  }
  func.func @transform_0(%arg0: i32) -> (i32, i32, i32) {
    %c0_i32 = arith.constant 0 : i32
    %c0_i32_0 = arith.constant 0 : i32
    %c0_i32_1 = arith.constant 0 : i32
    return %c0_i32, %arg0, %c0_i32_0 : i32, i32, i32
  }
  func.func @transform_1(%arg0: i32) -> (i32, i32, i32) {
    %c1_i32 = arith.constant 1 : i32
    %c0_i32 = arith.constant 0 : i32
    %c0_i32_0 = arith.constant 0 : i32
    return %c1_i32, %arg0, %c0_i32 : i32, i32, i32
  }
  func.func @transform_2(%arg0: i32) -> (i32, i32) {
    %c0_i32 = arith.constant 0 : i32
    %c0_i32_0 = arith.constant 0 : i32
    return %arg0, %c0_i32 : i32, i32
  }
  func.func @transform_3(%arg0: i32) -> (i32, i32) {
    %c0_i32 = arith.constant 0 : i32
    %c0_i32_0 = arith.constant 0 : i32
    %c0_i32_1 = arith.constant 0 : i32
    return %c0_i32, %c0_i32_0 : i32, i32
  }
  func.func @transform_4(%arg0: i32) -> (i32, i32) {
    %c0_i32 = arith.constant 0 : i32
    %c0_i32_0 = arith.constant 0 : i32
    return %arg0, %c0_i32 : i32, i32
  }
}

</mosaic_0001>

<sc_bundles>
// kernel: kernel.11.cloned.1.call-start
scs
__scs_entry_jumppad:
0x0: {  	(pc) =	sbr.rel $0x88, $3  }
0x1: {  	(tag) =	ssettag $0x0;
	lr =	simm.s32 $0x1  }
0x2: {  	[smem:$0x3F9B] =	sst lr;
	_ =	strace $0xD0000000  }
0x3: {  	_ = 	snop  }
0x4: {  	_ = 	snop  }
0x5: {  	_ = 	snop  }
0x6: {  	_ = 	snop  }
0x7: {  	_ = 	snop  }
__scs_overlays_trampoline_lowered:
0x8: {  	[smem:$0x3FAA] =	sst s0  }
0x9: {  	[smem:$0x3FAB] =	sst s1  }
0xa: {  	[smem:$0x3FAC] =	sst s2  }
0xb: {  	[smem:$0x3FAD] =	sst s3  }
0xc: {  	[smem:$0x3FAE] =	sst s4  }
0xd: {  	[smem:$0x3FAF] =	sst s5  }
0xe: {  	[smem:$0x3FB0] =	sst s6  }
0xf: {  	[smem:$0x3FB1] =	sst s7  }
0x10: {  	[smem:$0x3FB2] =	sst s8  }
0x11: {  	[smem:$0x3FB3] =	sst s9;
	s0 =	simm.s32 @!p0 $0x0  }
0x12: {  	s1 =	sld [smem:$0x3F99];
	s0 =	simm.s32 @p0 $0x1  }
0x13: {  	[smem:$0x3FB4] =	sst s0;
	s0 =	simm.s32 @!p1 $0x0  }
0x14: {  	s2 =	sld [smem:$0x3F98];
	s0 =	simm.s32 @p1 $0x1  }
0x15: {  	[smem:$0x3FB5] =	sst s0;
	s0 =	simm.s32 @!p2 $0x0  }
0x16: {  	s3 =	sld [smem:$0x3FDB];
	s0 =	simm.s32 @p2 $0x1  }
0x17: {  	s4 =	simm.s32 $0x1BF5;
	[smem:$0x3FB7] =	sst s0  }
0x18: {  	s0 =	sld [smem:$0x3F9A];
	_ =	swait.ge [sflag:s4], $0x0  }
0x19: {  	s7 =	sld [smem:$0x3F9B]  }
0x1a: {  	s8 =	sadd.s32 $0xFFFFE003, lr  }
0x1b: {  	s9 =	sadd.s32 $0xFFFFFEF7, lr;
	s5 =	simm.s32 $0xFFFFFFFF;
	p2 =	slt.u32 s8, $0xFFFFF086  }
0x1c: {  	p1 =	slt.u32 s9, $0xF7A;
	s5 =	simm.s32 @!p2 $0x0  }
0x1d: {  	s5 =	simm.s32 @p1 $0x1;
	p0 =	seq.s32 s7, s2  }
0x1e: {  	s7 =	smul.u32 @!p0 $0xF7A, s2;
	p2 =	seq.s32 @!p0 s5, $0x0  }
0x1f: {  	s9 =	smul.u32 $0xF7A, s1;
	s8 =	simm.s32 @!p0 $0x1BF5;
	p2 =	por !p2, p0  }
0x20: {  	[sflag:s8] =	ssyncset.s32 @!p0 $0xFFFFF086;
	s6 =	sadd.s32 @!p0 s3, s7;
	s7 =	simm.s32 @!p0 $0x108  }
0x21: {  	s3 =	sadd.s32 s3, s9;
	s6 =	sadd.s32 @!p0 $0x88, s6;
	s7 =	simm.s32 @p2 $0x1082  }
0x22: {  	[simem:s7], [sflag:s8] =	dma.local @!p0 [hbm:s6], $0xF7A  }
0x23: {  	s9 =	sor.u32 $0xD0000000, s2;
	s6 =	simm.s32 $0x108;
	_ =	swait.ge @!p0 [sflag:s8], $0x0  }
0x24: {  	s3 =	sadd.s32 $0x88, s3;
	s6 =	simm.s32 @!p1 $0x1082;
	[sflag:s4] =	ssyncset.s32 $0xFFFFF086  }
0x25: {  	[simem:s6], [sflag:s4] =	dma.local [hbm:s3], $0xF7A  }
0x26: {  	[smem:$0x3F9B] =	sst s1;
	(tag) =	ssettag s2;
	_ =	strace s9  }
0x27: {  	s1 =	sld [smem:$0x3FAB]  }
0x28: {  	s2 =	sld [smem:$0x3FAC]  }
0x29: {  	s4 =	sld [smem:$0x3FAE]  }
0x2a: {  	p0 =	seq.s32 s5, $0x0;
	s5 =	sld [smem:$0x3FAF]  }
0x2b: {  	s6 =	sld [smem:$0x3FB0]  }
0x2c: {  	s7 =	sld [smem:$0x3FB1]  }
0x2d: {  	s3 =	simm.s32 $0x108;
	s8 =	sld [smem:$0x3FB2]  }
0x2e: {  	s3 =	simm.s32 @!p0 $0x1082;
	s9 =	sld [smem:$0x3FB3]  }
0x2f: {  	lr =	sadd.s32 s0, s3;
	s0 =	sld [smem:$0x3FAA]  }
0x30: {  	s3 =	sld [smem:$0x3FAD]  }
0x31: {  	[smem:$0x3FB6] =	sst s10  }
0x32: {  	s10 =	sld [smem:$0x3FB4];
	_ =	sdelay $0x3  }
0x33: {  	p0 =	seq.s32 s10, $0x1;
	s10 =	sld [smem:$0x3FB6];
	_ =	sdelay $0x3  }
0x34: {  	[smem:$0x3FB6] =	sst s10  }
0x35: {  	s10 =	sld [smem:$0x3FB5];
	_ =	sdelay $0x3  }
0x36: {  	p1 =	seq.s32 s10, $0x1;
	s10 =	sld [smem:$0x3FB6];
	_ =	sdelay $0x3  }
0x37: {  	[smem:$0x3FB6] =	sst s10  }
0x38: {  	s10 =	sld [smem:$0x3FB7]  }
0x39: {  	_ = 	snop;
	(pc) =	sbr.ind lr, $3  }
0x3a: {  	_ = 	snop  }
0x3b: {  	_ = 	snop  }
0x3c: {  	p2 =	seq.s32 s10, $0x1;
	s10 =	sld [smem:$0x3FB6]  }
0x3d: {  	_ =	shalt  }
0x3e: {  	_ =	shalt  }
0x3f: {  	_ =	shalt  }
0x40: {  	_ =	shalt  }
0x41: {  	_ =	shalt  }
0x42: {  	_ =	shalt  }
0x43: {  	_ =	shalt  }
0x44: {  	_ =	shalt  }
0x45: {  	_ =	shalt  }
0x46: {  	_ =	shalt  }
0x47: {  	_ =	shalt  }
0x48: {  	_ =	shalt  }
0x49: {  	_ =	shalt  }
0x4a: {  	_ =	shalt  }
0x4b: {  	_ =	shalt  }
0x4c: {  	_ =	shalt  }
0x4d: {  	_ =	shalt  }
0x4e: {  	_ =	shalt  }
0x4f: {  	_ =	shalt  }
0x50: {  	_ =	shalt  }
0x51: {  	_ =	shalt  }
0x52: {  	_ =	shalt  }
0x53: {  	_ =	shalt  }
0x54: {  	_ =	shalt  }
0x55: {  	_ =	shalt  }
0x56: {  	_ =	shalt  }
0x57: {  	_ =	shalt  }
0x58: {  	_ =	shalt  }
0x59: {  	_ =	shalt  }
0x5a: {  	_ =	shalt  }
0x5b: {  	_ =	shalt  }
0x5c: {  	_ =	shalt  }
0x5d: {  	_ =	shalt  }
0x5e: {  	_ =	shalt  }
0x5f: {  	_ =	shalt  }
0x60: {  	_ =	shalt  }
0x61: {  	_ =	shalt  }
0x62: {  	_ =	shalt  }
0x63: {  	_ =	shalt  }
0x64: {  	_ =	shalt  }
0x65: {  	_ =	shalt  }
0x66: {  	_ =	shalt  }
0x67: {  	_ =	shalt  }
0x68: {  	_ =	shalt  }
0x69: {  	_ =	shalt  }
0x6a: {  	_ =	shalt  }
0x6b: {  	_ =	shalt  }
0x6c: {  	_ =	shalt  }
0x6d: {  	_ =	shalt  }
0x6e: {  	_ =	shalt  }
0x6f: {  	_ =	shalt  }
0x70: {  	_ =	shalt  }
0x71: {  	_ =	shalt  }
0x72: {  	_ =	shalt  }
0x73: {  	_ =	shalt  }
0x74: {  	_ =	shalt  }
0x75: {  	_ =	shalt  }
0x76: {  	_ =	shalt  }
0x77: {  	_ =	shalt  }
0x78: {  	_ =	shalt  }
0x79: {  	_ =	shalt  }
0x7a: {  	_ =	shalt  }
0x7b: {  	_ =	shalt  }
0x7c: {  	_ =	shalt  }
0x7d: {  	_ =	shalt  }
0x7e: {  	_ =	shalt  }
0x7f: {  	_ =	shalt  }
0x80: {  	_ =	shalt  }
0x81: {  	_ =	shalt  }
0x82: {  	_ =	shalt  }
0x83: {  	_ =	shalt  }
0x84: {  	_ =	shalt  }
0x85: {  	_ =	shalt  }
0x86: {  	_ =	shalt  }
0x87: {  	_ =	shalt  }
.Lfunc_end0:
.L_simem_size_0:
called_computation.1_lowered:
.L_overlay_start_0:
0x88: {  	s2 =	sld [smem:$0x3FD9]  }
0x89: {  	s3 =	sld [smem:$0x3FFE];
	_ =	sdelay $0x1  }
0x8a: {  	s1 =	srdreg.scid  }
0x8b: {  	s0 =	sand.u32 $0x1, s1  }
0x8c: {  	s17 =	sshll.u32 s0, $0xA;
	s2 =	sadd.s32 s3, s2  }
0x8d: {  	s2 =	sadd.s32 s2, s17  }
0x8e: {  	[smem:$0x3FC2] =	sst s2  }
0x8f: {  	_ = 	snop  }
0x90: {  	s2 =	sld [smem:$0x3FD0];
	(tm) =	ssettm $0x1  }
0x91: {  	s18 =	sld [smem:$0x3FFB];
	_ =	sdelay $0x3  }
0x92: {  	_ =	strace s18  }
0x93: {  	s3 =	sld [smem:$0x3FFC];
	_ =	sdelay $0x3  }
0x94: {  	_ =	strace s3  }
0x95: {  	s3 =	sld [smem:$0x3FFD];
	_ =	sdelay $0x3  }
0x96: {  	_ =	strace s3  }
0x97: {  	_ =	strace $0x8FFFFFFF  }
0x98: {  	s19 =	sld [smem:$0x3FDB];
	_ =	sdelay $0x1  }
0x99: {  	s4 =	simm.s32 $_scs_section_size  }
0x9a: {  	s5 =	simm.s32 $_size__tile_overlayer_lowered;
	s6 =	simm.s32 $_tile_overlayer_lowered  }
0x9b: {  	s22 =	simm.s32 $0x1BFF;
	s21 =	sshll.u32 s6, $0x1;
	s3 =	sadd.s32 s4, s19  }
0x9c: {  	s7 =	simm.s32 $0x0;
	s20 =	sshll.u32 s5, $0x1;
	s5 =	sadd.s32 s21, s3  }
0x9d: {  	[timem:s7], [sflag:s22] =	dma.local [hbm:s5], s20  }
0x9e: {  	_ =	swait.ge [sflag:s22], s20  }
0x9f: {  	s4 =	ssub.s32 $0x0, s20;
	[sflag:s22] =	ssyncset.done $0x0  }
0xa0: {  	[sflag:s22] =	ssyncadd.s32 s4;
	_ =	sdelay $0x1  }
0xa1: {  	s23 =	simm.s32 $0x1B8B  }
0xa2: {  	_ =	swait.ge [sflag:s23], $0x1  }
0xa3: {  	[sflag:s23] =	ssyncset.done $0x0  }
0xa4: {  	s25 =	simm.s32 $0x1B8E;
	s24 =	sld [smem:$0x3FFE];
	[sflag:s23] =	ssyncadd.s32 $0xFFFFFFFF  }
0xa5: {  	s26 =	simm.s32 $execute0_lowered;
	[smem:$0x3FD2] =	sst s25  }
0xa6: {  	s5 =	sshll.u32 s26, $0x1;
	_ =	strace $0x80000049;
	[dreg:$0x1] =	wrdreg $0xFFFFFFFF  }
0xa7: {  	s28 =	simm.s32 $_size_execute0_lowered;
	s3 =	sadd.s32 s3, s5;
	[dreg:$0x0] =	wrdreg $0x0  }
0xa8: {  	s5 =	sshll.u32 s28, $0x1;
	[dreg:$0x2] =	wrdreg s3  }
0xa9: {  	[dreg:$0x3] =	wrdreg s5  }
0xaa: {  	[dreg:$0x4] =	wrdreg $0xC0  }
0xab: {  	_ =	task [dreg:s7], $0x5FFFF  }
0xac: {  	[dreg:$0x1] =	wrdreg $0xFFFFFFFF  }
0xad: {  	[dreg:$0x0] =	wrdreg $0x60  }
0xae: {  	[dreg:$0x2] =	wrdreg s24  }
0xaf: {  	[dreg:$0x3] =	wrdreg s2  }
0xb0: {  	[dreg:$0x4] =	wrdreg $0xB0000  }
0xb1: {  	[dreg:$0x5] =	wrdreg $0x9  }
0xb2: {  	_ =	task.clear_ibuf [dreg:s7], $0x6FFFF;
	_ =	strace $0x90000049  }
0xb3: {  	s29 =	simm.s32 $0x9;
	_ =	strace $0x8000004B  }
0xb4: {  	_ =	swait.ge [sflag:s29], $0x1  }
0xb5: {  	[sflag:s29] =	ssyncadd.s32 $0xFFFFFFFF  }
0xb6: {  	_ =	strace $0x9000004B  }
0xb7: {  	_ =	sfence  }
0xb8: {  	s30 =	sld [smem:$0x0];
	_ =	sdelay $0x2  }
0xb9: {  	s31 =	sshll.u32 s1, $0xD;
	s1 =	sshrl.u32 s1, $0x2  }
0xba: {  	s3 =	sand.u32 $0x4000, s31;
	s1 =	sadd.s32 s1, s30  }
0xbb: {  	s0 =	sor.u32 s3, s0;
	s1 =	sshll.u32 s1, $0x11  }
0xbc: {  	s0 =	sor.u32 s1, s0  }
0xbd: {  	s0 =	sadd.s32 $0x8F2B, s0  }
0xbe: {  	[sflag:s0] =	ssyncadd.remote.s32 $0x1  }
0xbf: {  	_ =	sfence.sel $0xFFFF  }
0xc0: {  	[dreg:$0x0] =	wrdreg $0xFFFFFFFF;
	(pc) =	sbr.abs _section_cstart, $3  }
0xc1: {  	[dreg:$0x1] =	wrdreg $0xFFFFFFFF  }
0xc2: {  	_ =	task.clear_ibuf [dreg:s7], $0x2FFFF;
	_ =	strace $0x9FFFFFFF  }
0xc3: {  	(tm) =	ssettm $0x7FFFFFFF  }
tec
execute0_lowered:
.L_overlay_start_1:
0x0: {  	(tag) =	ssettag $0x1  }
0x1: {  	s6 =	rddreg [dreg:$0x0]  }
0x2: {  	s7 =	rddreg [dreg:$0x1]  }
0x3: {  	s0 =	srdreg.scid;
	s2 =	rddreg [dreg:$0x2]  }
0x4: {  	s3 =	simm.s32 $0x0;
	s14 =	simm.s32 $0x3;
	s15 =	simm.s32 $0x1800  }
0x5: {  	s16 =	simm.s32 $0x3000;
	s17 =	simm.s32 $0x80;
	s18 =	simm.s32 $0x7000  }
0x6: {  	s19 =	simm.s32 $0x1;
	s20 =	simm.s32 $0x2;
	s21 =	simm.s32 $0x2D00  }
0x7: {  	s22 =	simm.s32 $0x2D80;
	s5 =	sand.u32 $0x1, s0;
	s0 =	stileid.u32  }
0x8: {  	s25 =	simm.s32 $0x0;
	[smem:$0x7FF] =	sst s3;
	s9 =	smul.u32 $0x2780, s0  }
0x9: {  	s4 =	sadd.s32 $0xC600, s6;
	s1 =	sshll.u32 s5, $0x4;
	s10 =	smul.u32 $0x27800, s5  }
0xa: {  	s11 =	smul.u32 $0x4F000, s0;
	s5 =	ssub.s32 $0x2, s5;
	s23 =	sshll.u32 s0, $0x6  }
0xb: {  	s1 =	sor.u32 s0, s1;
	s31 =	sshrl.u32 s5, $0x1;
	s23 =	sor.u32 $0x1C03, s23  }
0xc: {  	s8 =	smul.u32 $0x300, s1;
	s1 =	rddreg [dreg:$0x3];
	_ =	strace $0x8000004A  }
0xd: {  	s9 =	sadd.s32 s9, s10;
	s11 =	sshrl.u32 s11, $0x2;
	s10 =	ssub.s32 s5, s31  }
0xe: {  	s9 =	sadd.s32 s9, s6;
	s5 =	sadd.s32 s11, s2;
	s10 =	smax.u32 s10, $0x1  }
0xf: {  	s12 =	sadd.s32 s8, s6;
	s6 =	sadd.s32 s7, s8;
	s8 =	sadd.s32 $0x10000, s5  }
0x10: {  	s9 =	sadd.s32 $0x33800, s9;
	s11 =	sadd.s32 $0x4000, s5;
	s13 =	sadd.s32 $0xC000, s5  }
0x11: {  	v0 =	vimm.f32 $0.0e+00;
	s24 =	sshrl.u32 s5, $0x3;
	s7 =	sadd.s32 $0xE00, s12;
	s12 =	sadd.s32 $0x8000, s5  }
.LBB2_1:
0x12: {  	[tilespmem:s3], [sflag:$0x3] =	stream.linear.gather [hbm4b:s6+s3], $0x1600, $0x38;
	[tilespmem:$0x1EC00] =	vst v63  }
0x13: {  	_ =	swait.ge [sflag:s14], $0x1600  }
0x14: {  	[sflag:s14] =	ssyncset.done $0x0  }
0x15: {  	[sflag:s14] =	ssyncadd.s32 $0xFFFFEA00  }
0x16: {  	[tilespmem:s15], [sflag:$0x3] =	stream.linear.gather [hbm4b:s7+s3], $0x1600, $0x38;
	[tilespmem:$0x1EC00] =	vst v63  }
0x17: {  	_ =	swait.ge [sflag:s14], $0x1600  }
0x18: {  	[sflag:s14] =	ssyncset.done $0x0  }
0x19: {  	s26 =	simm.s32 $0x0;
	s28 =	simm.s32 $0x200;
	[sflag:s14] =	ssyncadd.s32 $0xFFFFEA00  }
.LBB2_2:
0x1a: {  	p0 =	sne.s32 s28, $0xFE00;
	[tilespmem:s26+$0x3070] =	vst v0  }
0x1b: {  	[tilespmem:s26+$0x3000] =	vst v0  }
0x1c: {  	[tilespmem:s26+$0x3010] =	vst v0  }
.Ltmp0:
0x1d: {  	[tilespmem:s26+$0x3020] =	vst v0;
	(pc) =	sbr.rel @p0 .LBB2_2-.Ltmp0, $4  }
0x1e: {  	[tilespmem:s26+$0x3030] =	vst v0  }
0x1f: {  	[tilespmem:s26+$0x3040] =	vst v0  }
0x20: {  	[tilespmem:s26+$0x3050] =	vst v0  }
0x21: {  	[tilespmem:s26+$0x3060] =	vst v0;
	s26 =	sshra.s32 s28, $0x2;
	s28 =	sadd.s32 $0x200, s28  }
0x22: {  	[tilespmem:s26+$0x3070] =	vst v0  }
0x23: {  	[tilespmem:s26+$0x3000] =	vst v0  }
0x24: {  	[tilespmem:s26+$0x3010] =	vst v0  }
0x25: {  	[tilespmem:s26+$0x3020] =	vst v0  }
0x26: {  	[tilespmem:s26+$0x3030] =	vst v0  }
0x27: {  	[tilespmem:s26+$0x3040] =	vst v0  }
0x28: {  	[tilespmem:s26+$0x3050] =	vst v0  }
0x29: {  	[tilespmem:s26+$0x3060] =	vst v0  }
0x2a: {  	[spmem:s5] =	stream.linear.scatter [tilespmem:s16], [sflag:$0x3], $0x4000, $0x38;
	[tilespmem:$0x1EC00] =	vst v63  }
0x2b: {  	_ =	swait.ge [sflag:s14], $0x4000  }
0x2c: {  	[sflag:s14] =	ssyncset.done $0x0  }
0x2d: {  	[sflag:s14] =	ssyncadd.s32 $0xFFFFC000  }
0x2e: {  	[spmem:s11] =	stream.linear.scatter [tilespmem:s16], [sflag:$0x3], $0x4000, $0x38;
	[tilespmem:$0x1EC00] =	vst v63  }
0x2f: {  	_ =	swait.ge [sflag:s14], $0x4000  }
0x30: {  	[sflag:s14] =	ssyncset.done $0x0  }
0x31: {  	[sflag:s14] =	ssyncadd.s32 $0xFFFFC000  }
0x32: {  	[spmem:s12] =	stream.linear.scatter [tilespmem:s16], [sflag:$0x3], $0x4000, $0x38;
	[tilespmem:$0x1EC00] =	vst v63  }
0x33: {  	_ =	swait.ge [sflag:s14], $0x4000  }
0x34: {  	[sflag:s14] =	ssyncset.done $0x0  }
0x35: {  	[sflag:s14] =	ssyncadd.s32 $0xFFFFC000  }
0x36: {  	[spmem:s13] =	stream.linear.scatter [tilespmem:s16], [sflag:$0x3], $0x4000, $0x38;
	[tilespmem:$0x1EC00] =	vst v63  }
0x37: {  	_ =	swait.ge [sflag:s14], $0x4000  }
0x38: {  	[sflag:s14] =	ssyncset.done $0x0  }
0x39: {  	[sflag:s14] =	ssyncadd.s32 $0xFFFFC000  }
0x3a: {  	[spmem:s8] =	stream.linear.scatter [tilespmem:s16], [sflag:$0x3], $0x3C00, $0x38;
	[tilespmem:$0x1EC00] =	vst v63  }
0x3b: {  	_ =	swait.ge [sflag:s14], $0x3C00  }
0x3c: {  	[sflag:s14] =	ssyncset.done $0x0  }
0x3d: {  	[sflag:s14] =	ssyncadd.s32 $0xFFFFC400  }
0x3e: {  	s31 =	simm.s32 $0x0;
	[bflag:$0x0] =	sbarrier.arrive $0xFFFF  }
0x3f: {  	[tilespmem:s16], [sflag:$0x1] =	stream.indirect.gather [hbm4b:s4+s17], $0x80, s31, s17, $0xb8;
	[tilespmem:$0x1EC00] =	vst v63  }
0x40: {  	_ = 	snop  }
0x41: {  	[tilespmem:s18], [sflag:$0x2] =	stream.indirect.gather [hbm4b:s4+s17], $0x80, s17, s17, $0xb8;
	[tilespmem:$0x1EC00] =	vst v63  }
0x42: {  	_ =	swait.ge [sflag:s19], $0x4000  }
0x43: {  	[sflag:s19] =	ssyncset.done $0x0  }
0x44: {  	s29 =	simm.s32 $0x1800;
	[sflag:s19] =	ssyncadd.s32 $0xFFFFC000  }
0x45: {  	[spmem:s2] =	stream.indirect.scatter.add.f32 [tilespmem:s16], [sflag:$0x3], $0x80, s29, s17, $0xb8;
	[tilespmem:$0x1EC00] =	vst v63  }
0x46: {  	_ =	swait.ge [sflag:s14], $0x4000  }
0x47: {  	[sflag:s14] =	ssyncset.done $0x0  }
0x48: {  	s30 =	simm.s32 $0x100;
	[sflag:s14] =	ssyncadd.s32 $0xFFFFC000  }
0x49: {  	[tilespmem:s16], [sflag:$0x1] =	stream.indirect.gather [hbm4b:s4+s17], $0x80, s30, s17, $0xb8;
	[tilespmem:$0x1EC00] =	vst v63  }
0x4a: {  	_ =	swait.ge [sflag:s20], $0x4000  }
0x4b: {  	[sflag:s20] =	ssyncset.done $0x0  }
0x4c: {  	s31 =	simm.s32 $0x1880;
	[sflag:s20] =	ssyncadd.s32 $0xFFFFC000  }
0x4d: {  	[spmem:s2] =	stream.indirect.scatter.add.f32 [tilespmem:s18], [sflag:$0x3], $0x80, s31, s17, $0xb8;
	[tilespmem:$0x1EC00] =	vst v63  }
0x4e: {  	_ =	swait.ge [sflag:s14], $0x4000  }
0x4f: {  	[sflag:s14] =	ssyncset.done $0x0  }
0x50: {  	s26 =	simm.s32 $0x400;
	s28 =	simm.s32 $0x180;
	[sflag:s14] =	ssyncadd.s32 $0xFFFFC000  }
.LBB2_4:
0x51: {  	[tilespmem:s18], [sflag:$0x2] =	stream.indirect.gather [hbm4b:s4+s17], $0x80, s28, s17, $0xb8;
	[tilespmem:$0x1EC00] =	vst v63  }
0x52: {  	s28 =	smov.u32 s26  }
0x53: {  	p0 =	sne.s32 s26, $0x5000;
	s26 =	sadd.s32 $0x400, s26;
	_ =	swait.ge [sflag:s19], $0x4000  }
0x54: {  	s28 =	sshra.s32 s28, $0x2;
	[sflag:s19] =	ssyncset.done $0x0  }
0x55: {  	s29 =	sadd.s32 $0x1800, s28;
	[sflag:s19] =	ssyncadd.s32 $0xFFFFC000  }
0x56: {  	[spmem:s2] =	stream.indirect.scatter.add.f32 [tilespmem:s16], [sflag:$0x3], $0x80, s29, s17, $0xb8;
	[tilespmem:$0x1EC00] =	vst v63  }
0x57: {  	_ =	swait.ge [sflag:s14], $0x4000  }
0x58: {  	[sflag:s14] =	ssyncset.done $0x0  }
0x59: {  	s29 =	sadd.s32 $0x100, s28;
	[sflag:s14] =	ssyncadd.s32 $0xFFFFC000  }
0x5a: {  	[tilespmem:s16], [sflag:$0x1] =	stream.indirect.gather [hbm4b:s4+s17], $0x80, s29, s17, $0xb8;
	[tilespmem:$0x1EC00] =	vst v63  }
0x5b: {  	_ =	swait.ge [sflag:s20], $0x4000  }
0x5c: {  	[sflag:s20] =	ssyncset.done $0x0  }
.Ltmp1:
0x5d: {  	s29 =	sadd.s32 $0x1880, s28;
	[sflag:s20] =	ssyncadd.s32 $0xFFFFC000;
	(pc) =	sbr.rel @p0 .LBB2_4-.Ltmp1, $4  }
0x5e: {  	[spmem:s2] =	stream.indirect.scatter.add.f32 [tilespmem:s18], [sflag:$0x3], $0x80, s29, s17, $0xb8;
	[tilespmem:$0x1EC00] =	vst v63  }
0x5f: {  	_ =	swait.ge [sflag:s14], $0x4000  }
0x60: {  	[sflag:s14] =	ssyncset.done $0x0  }
0x61: {  	s28 =	sadd.s32 $0x180, s28;
	[sflag:s14] =	ssyncadd.s32 $0xFFFFC000  }
0x62: {  	[tilespmem:s18], [sflag:$0x2] =	stream.indirect.gather [hbm4b:s4+s17], $0x80, s28, s17, $0xb8;
	[tilespmem:$0x1EC00] =	vst v63  }
0x63: {  	_ =	swait.ge [sflag:s19], $0x4000  }
0x64: {  	[sflag:s19] =	ssyncset.done $0x0  }
0x65: {  	[sflag:s19] =	ssyncadd.s32 $0xFFFFC000  }
0x66: {  	[spmem:s2] =	stream.indirect.scatter.add.f32 [tilespmem:s16], [sflag:$0x3], $0x80, s21, s17, $0xb8;
	[tilespmem:$0x1EC00] =	vst v63  }
0x67: {  	_ =	swait.ge [sflag:s14], $0x4000  }
0x68: {  	[sflag:s14] =	ssyncset.done $0x0  }
0x69: {  	[sflag:s14] =	ssyncadd.s32 $0xFFFFC000  }
0x6a: {  	_ =	swait.ge [sflag:s20], $0x4000  }
0x6b: {  	[sflag:s20] =	ssyncset.done $0x0  }
0x6c: {  	[sflag:s20] =	ssyncadd.s32 $0xFFFFC000  }
0x6d: {  	[spmem:s2] =	stream.indirect.scatter.add.f32 [tilespmem:s18], [sflag:$0x3], $0x80, s22, s17, $0xb8;
	[tilespmem:$0x1EC00] =	vst v63  }
0x6e: {  	_ =	swait.ge [sflag:s14], $0x4000  }
0x6f: {  	s25 =	sadd.s32 $0x1, s25;
	[sflag:s14] =	ssyncset.done $0x0  }
0x70: {  	p0 =	sne.s32 s25, s10;
	[sflag:s14] =	ssyncadd.s32 $0xFFFFC000  }
.Ltmp2:
0x71: {  	[bflag:$0x0] =	sbarrier.arrive $0xFFFF;
	(pc) =	sbr.rel @p0 .LBB2_1-.Ltmp2, $4  }
0x72: {  	[hbm:s9], [sflag:s23] =	dma.local [spmem:s24], $0x2780  }
0x73: {  	_ =	swait.ge [sflag:s14], $0x2780  }
0x74: {  	[sflag:s14] =	ssyncset.done $0x0  }
0x75: {  	[sflag:s14] =	ssyncadd.s32 $0xFFFFD880  }
0x76: {  	_ =	sfence.sel $0x180000  }
0x77: {  	[bflag:$0x0] =	sbarrier.arrive $0xFFFF  }
0x78: {  	p0 =	sne.s32 s0, $0x0;
	_ =	strace $0x9000004A  }
0x79: {  	s0 =	sadd.s32 @!p0 $0x100000, s1;
	[bflag:$0x2] =	sbarrier.arrive $0xFFFF  }
0x7a: {  	[sflag:s0] =	ssyncadd.tile.s32 @!p0 $0x1;
	_ =	shalt  }
.Lfunc_end2:
_tile_overlayer_lowered:
.L_overlay_start_2:
0x7b: {  	(tag) =	ssettag $0x2  }
0x7c: {  	s0 =	rddreg [dreg:$0x0];
	s2 =	stileid.u32  }
0x7d: {  	s1 =	rddreg [dreg:$0x1];
	p0 =	sne.s32 s2, $0x0  }
0x7e: {  	s3 =	rddreg [dreg:$0x2];
	[bflag:$0x3] =	sbarrier.arrive $0xFFFF;
	s2 =	simm.s32 @!p0 $0x1C03  }
0x7f: {  	[timem:s3], [sflag:s2] =	dma.local @!p0 [hbm:s0], s1  }
0x80: {  	s0 =	simm.s32 @!p0 $0x3  }
0x81: {  	_ =	swait.ge @!p0 [sflag:s0], s1  }
0x82: {  	s1 =	ssub.s32 @!p0 $0x0, s1;
	[sflag:s0] =	ssyncset.done @!p0 $0x0  }
0x83: {  	[sflag:s0] =	ssyncadd.s32 @!p0 s1  }
0x84: {  	[bflag:$0x3] =	sbarrier.arrive $0xFFFF  }
0x85: {  	_ =	shalt  }

// kernel: kernel.14.cloned.1.call-start
scs
__scs_entry_jumppad:
0x0: {  	(pc) =	sbr.rel $0x88, $3  }
0x1: {  	(tag) =	ssettag $0x0;
	lr =	simm.s32 $0x1  }
0x2: {  	[smem:$0x3F9B] =	sst lr;
	_ =	strace $0xD0000000  }
0x3: {  	_ = 	snop  }
0x4: {  	_ = 	snop  }
0x5: {  	_ = 	snop  }
0x6: {  	_ = 	snop  }
0x7: {  	_ = 	snop  }
__scs_overlays_trampoline_lowered:
0x8: {  	[smem:$0x3FAA] =	sst s0  }
0x9: {  	[smem:$0x3FAB] =	sst s1  }
0xa: {  	[smem:$0x3FAC] =	sst s2  }
0xb: {  	[smem:$0x3FAD] =	sst s3  }
0xc: {  	[smem:$0x3FAE] =	sst s4  }
0xd: {  	[smem:$0x3FAF] =	sst s5  }
0xe: {  	[smem:$0x3FB0] =	sst s6  }
0xf: {  	[smem:$0x3FB1] =	sst s7  }
0x10: {  	[smem:$0x3FB2] =	sst s8  }
0x11: {  	[smem:$0x3FB3] =	sst s9;
	s0 =	simm.s32 @!p0 $0x0  }
0x12: {  	s1 =	sld [smem:$0x3F99];
	s0 =	simm.s32 @p0 $0x1  }
0x13: {  	[smem:$0x3FB4] =	sst s0;
	s0 =	simm.s32 @!p1 $0x0  }
0x14: {  	s2 =	sld [smem:$0x3F98];
	s0 =	simm.s32 @p1 $0x1  }
0x15: {  	[smem:$0x3FB5] =	sst s0;
	s0 =	simm.s32 @!p2 $0x0  }
0x16: {  	s3 =	sld [smem:$0x3FDB];
	s0 =	simm.s32 @p2 $0x1  }
0x17: {  	s4 =	simm.s32 $0x1BF5;
	[smem:$0x3FB7] =	sst s0  }
0x18: {  	s0 =	sld [smem:$0x3F9A];
	_ =	swait.ge [sflag:s4], $0x0  }
0x19: {  	s7 =	sld [smem:$0x3F9B]  }
0x1a: {  	s8 =	sadd.s32 $0xFFFFE003, lr  }
0x1b: {  	s9 =	sadd.s32 $0xFFFFFEF7, lr;
	s5 =	simm.s32 $0xFFFFFFFF;
	p2 =	slt.u32 s8, $0xFFFFF086  }
0x1c: {  	p1 =	slt.u32 s9, $0xF7A;
	s5 =	simm.s32 @!p2 $0x0  }
0x1d: {  	s5 =	simm.s32 @p1 $0x1;
	p0 =	seq.s32 s7, s2  }
0x1e: {  	s7 =	smul.u32 @!p0 $0xF7A, s2;
	p2 =	seq.s32 @!p0 s5, $0x0  }
0x1f: {  	s9 =	smul.u32 $0xF7A, s1;
	s8 =	simm.s32 @!p0 $0x1BF5;
	p2 =	por !p2, p0  }
0x20: {  	[sflag:s8] =	ssyncset.s32 @!p0 $0xFFFFF086;
	s6 =	sadd.s32 @!p0 s3, s7;
	s7 =	simm.s32 @!p0 $0x108  }
0x21: {  	s3 =	sadd.s32 s3, s9;
	s6 =	sadd.s32 @!p0 $0x88, s6;
	s7 =	simm.s32 @p2 $0x1082  }
0x22: {  	[simem:s7], [sflag:s8] =	dma.local @!p0 [hbm:s6], $0xF7A  }
0x23: {  	s9 =	sor.u32 $0xD0000000, s2;
	s6 =	simm.s32 $0x108;
	_ =	swait.ge @!p0 [sflag:s8], $0x0  }
0x24: {  	s3 =	sadd.s32 $0x88, s3;
	s6 =	simm.s32 @!p1 $0x1082;
	[sflag:s4] =	ssyncset.s32 $0xFFFFF086  }
0x25: {  	[simem:s6], [sflag:s4] =	dma.local [hbm:s3], $0xF7A  }
0x26: {  	[smem:$0x3F9B] =	sst s1;
	(tag) =	ssettag s2;
	_ =	strace s9  }
0x27: {  	s1 =	sld [smem:$0x3FAB]  }
0x28: {  	s2 =	sld [smem:$0x3FAC]  }
0x29: {  	s4 =	sld [smem:$0x3FAE]  }
0x2a: {  	p0 =	seq.s32 s5, $0x0;
	s5 =	sld [smem:$0x3FAF]  }
0x2b: {  	s6 =	sld [smem:$0x3FB0]  }
0x2c: {  	s7 =	sld [smem:$0x3FB1]  }
0x2d: {  	s3 =	simm.s32 $0x108;
	s8 =	sld [smem:$0x3FB2]  }
0x2e: {  	s3 =	simm.s32 @!p0 $0x1082;
	s9 =	sld [smem:$0x3FB3]  }
0x2f: {  	lr =	sadd.s32 s0, s3;
	s0 =	sld [smem:$0x3FAA]  }
0x30: {  	s3 =	sld [smem:$0x3FAD]  }
0x31: {  	[smem:$0x3FB6] =	sst s10  }
0x32: {  	s10 =	sld [smem:$0x3FB4];
	_ =	sdelay $0x3  }
0x33: {  	p0 =	seq.s32 s10, $0x1;
	s10 =	sld [smem:$0x3FB6];
	_ =	sdelay $0x3  }
0x34: {  	[smem:$0x3FB6] =	sst s10  }
0x35: {  	s10 =	sld [smem:$0x3FB5];
	_ =	sdelay $0x3  }
0x36: {  	p1 =	seq.s32 s10, $0x1;
	s10 =	sld [smem:$0x3FB6];
	_ =	sdelay $0x3  }
0x37: {  	[smem:$0x3FB6] =	sst s10  }
0x38: {  	s10 =	sld [smem:$0x3FB7]  }
0x39: {  	_ = 	snop;
	(pc) =	sbr.ind lr, $3  }
0x3a: {  	_ = 	snop  }
0x3b: {  	_ = 	snop  }
0x3c: {  	p2 =	seq.s32 s10, $0x1;
	s10 =	sld [smem:$0x3FB6]  }
0x3d: {  	_ =	shalt  }
0x3e: {  	_ =	shalt  }
0x3f: {  	_ =	shalt  }
0x40: {  	_ =	shalt  }
0x41: {  	_ =	shalt  }
0x42: {  	_ =	shalt  }
0x43: {  	_ =	shalt  }
0x44: {  	_ =	shalt  }
0x45: {  	_ =	shalt  }
0x46: {  	_ =	shalt  }
0x47: {  	_ =	shalt  }
0x48: {  	_ =	shalt  }
0x49: {  	_ =	shalt  }
0x4a: {  	_ =	shalt  }
0x4b: {  	_ =	shalt  }
0x4c: {  	_ =	shalt  }
0x4d: {  	_ =	shalt  }
0x4e: {  	_ =	shalt  }
0x4f: {  	_ =	shalt  }
0x50: {  	_ =	shalt  }
0x51: {  	_ =	shalt  }
0x52: {  	_ =	shalt  }
0x53: {  	_ =	shalt  }
0x54: {  	_ =	shalt  }
0x55: {  	_ =	shalt  }
0x56: {  	_ =	shalt  }
0x57: {  	_ =	shalt  }
0x58: {  	_ =	shalt  }
0x59: {  	_ =	shalt  }
0x5a: {  	_ =	shalt  }
0x5b: {  	_ =	shalt  }
0x5c: {  	_ =	shalt  }
0x5d: {  	_ =	shalt  }
0x5e: {  	_ =	shalt  }
0x5f: {  	_ =	shalt  }
0x60: {  	_ =	shalt  }
0x61: {  	_ =	shalt  }
0x62: {  	_ =	shalt  }
0x63: {  	_ =	shalt  }
0x64: {  	_ =	shalt  }
0x65: {  	_ =	shalt  }
0x66: {  	_ =	shalt  }
0x67: {  	_ =	shalt  }
0x68: {  	_ =	shalt  }
0x69: {  	_ =	shalt  }
0x6a: {  	_ =	shalt  }
0x6b: {  	_ =	shalt  }
0x6c: {  	_ =	shalt  }
0x6d: {  	_ =	shalt  }
0x6e: {  	_ =	shalt  }
0x6f: {  	_ =	shalt  }
0x70: {  	_ =	shalt  }
0x71: {  	_ =	shalt  }
0x72: {  	_ =	shalt  }
0x73: {  	_ =	shalt  }
0x74: {  	_ =	shalt  }
0x75: {  	_ =	shalt  }
0x76: {  	_ =	shalt  }
0x77: {  	_ =	shalt  }
0x78: {  	_ =	shalt  }
0x79: {  	_ =	shalt  }
0x7a: {  	_ =	shalt  }
0x7b: {  	_ =	shalt  }
0x7c: {  	_ =	shalt  }
0x7d: {  	_ =	shalt  }
0x7e: {  	_ =	shalt  }
0x7f: {  	_ =	shalt  }
0x80: {  	_ =	shalt  }
0x81: {  	_ =	shalt  }
0x82: {  	_ =	shalt  }
0x83: {  	_ =	shalt  }
0x84: {  	_ =	shalt  }
0x85: {  	_ =	shalt  }
0x86: {  	_ =	shalt  }
0x87: {  	_ =	shalt  }
.Lfunc_end0:
.L_simem_size_0:
called_computation.2_lowered:
.L_overlay_start_0:
0x88: {  	s2 =	sld [smem:$0x3FD9]  }
0x89: {  	s3 =	sld [smem:$0x3FFE];
	_ =	sdelay $0x1  }
0x8a: {  	s1 =	srdreg.scid  }
0x8b: {  	s0 =	sand.u32 $0x1, s1  }
0x8c: {  	s17 =	sshll.u32 s0, $0xA;
	s2 =	sadd.s32 s3, s2  }
0x8d: {  	s2 =	sadd.s32 s2, s17  }
0x8e: {  	[smem:$0x3FC2] =	sst s2  }
0x8f: {  	_ = 	snop  }
0x90: {  	s2 =	sld [smem:$0x3FD0];
	(tm) =	ssettm $0x1  }
0x91: {  	s18 =	sld [smem:$0x3FFB];
	_ =	sdelay $0x3  }
0x92: {  	_ =	strace s18  }
0x93: {  	s3 =	sld [smem:$0x3FFC];
	_ =	sdelay $0x3  }
0x94: {  	_ =	strace s3  }
0x95: {  	s3 =	sld [smem:$0x3FFD];
	_ =	sdelay $0x3  }
0x96: {  	_ =	strace s3  }
0x97: {  	_ =	strace $0x8FFFFFFF  }
0x98: {  	s19 =	sld [smem:$0x3FDB];
	_ =	sdelay $0x1  }
0x99: {  	s4 =	simm.s32 $_scs_section_size  }
0x9a: {  	s5 =	simm.s32 $_size__tile_overlayer_lowered;
	s6 =	simm.s32 $_tile_overlayer_lowered  }
0x9b: {  	s22 =	simm.s32 $0x1BFF;
	s21 =	sshll.u32 s6, $0x1;
	s3 =	sadd.s32 s4, s19  }
0x9c: {  	s7 =	simm.s32 $0x0;
	s20 =	sshll.u32 s5, $0x1;
	s5 =	sadd.s32 s21, s3  }
0x9d: {  	[timem:s7], [sflag:s22] =	dma.local [hbm:s5], s20  }
0x9e: {  	_ =	swait.ge [sflag:s22], s20  }
0x9f: {  	s4 =	ssub.s32 $0x0, s20;
	[sflag:s22] =	ssyncset.done $0x0  }
0xa0: {  	[sflag:s22] =	ssyncadd.s32 s4;
	_ =	sdelay $0x1  }
0xa1: {  	s23 =	simm.s32 $0x1B8B  }
0xa2: {  	_ =	swait.ge [sflag:s23], $0x1  }
0xa3: {  	[sflag:s23] =	ssyncset.done $0x0  }
0xa4: {  	s25 =	simm.s32 $0x1B8E;
	s24 =	sld [smem:$0x3FFE];
	[sflag:s23] =	ssyncadd.s32 $0xFFFFFFFF  }
0xa5: {  	s26 =	simm.s32 $execute0_lowered;
	[smem:$0x3FD2] =	sst s25  }
0xa6: {  	s5 =	sshll.u32 s26, $0x1;
	_ =	strace $0x8000004C;
	[dreg:$0x1] =	wrdreg $0xFFFFFFFF  }
0xa7: {  	s28 =	simm.s32 $_size_execute0_lowered;
	s3 =	sadd.s32 s3, s5;
	[dreg:$0x0] =	wrdreg $0x0  }
0xa8: {  	s5 =	sshll.u32 s28, $0x1;
	[dreg:$0x2] =	wrdreg s3  }
0xa9: {  	[dreg:$0x3] =	wrdreg s5  }
0xaa: {  	[dreg:$0x4] =	wrdreg $0xC0  }
0xab: {  	_ =	task [dreg:s7], $0x5FFFF  }
0xac: {  	[dreg:$0x1] =	wrdreg $0xFFFFFFFF  }
0xad: {  	[dreg:$0x0] =	wrdreg $0x60  }
0xae: {  	[dreg:$0x2] =	wrdreg s2  }
0xaf: {  	[dreg:$0x3] =	wrdreg s24  }
0xb0: {  	[dreg:$0x4] =	wrdreg $0x8C000  }
0xb1: {  	[dreg:$0x5] =	wrdreg $0x9  }
0xb2: {  	_ =	task.clear_ibuf [dreg:s7], $0x6FFFF;
	_ =	strace $0x9000004C  }
0xb3: {  	s29 =	simm.s32 $0x9;
	_ =	strace $0x8000004E  }
0xb4: {  	_ =	swait.ge [sflag:s29], $0x1  }
0xb5: {  	[sflag:s29] =	ssyncadd.s32 $0xFFFFFFFF  }
0xb6: {  	_ =	strace $0x9000004E  }
0xb7: {  	_ =	sfence  }
0xb8: {  	s30 =	sld [smem:$0x0];
	_ =	sdelay $0x2  }
0xb9: {  	s31 =	sshll.u32 s1, $0xD;
	s1 =	sshrl.u32 s1, $0x2  }
0xba: {  	s3 =	sand.u32 $0x4000, s31;
	s1 =	sadd.s32 s1, s30  }
0xbb: {  	s0 =	sor.u32 s3, s0;
	s1 =	sshll.u32 s1, $0x11  }
0xbc: {  	s0 =	sor.u32 s1, s0  }
0xbd: {  	s0 =	sadd.s32 $0x8F2B, s0  }
0xbe: {  	[sflag:s0] =	ssyncadd.remote.s32 $0x1  }
0xbf: {  	_ =	sfence.sel $0xFFFF  }
0xc0: {  	[dreg:$0x0] =	wrdreg $0xFFFFFFFF;
	(pc) =	sbr.abs _section_cstart, $3  }
0xc1: {  	[dreg:$0x1] =	wrdreg $0xFFFFFFFF  }
0xc2: {  	_ =	task.clear_ibuf [dreg:s7], $0x2FFFF;
	_ =	strace $0x9FFFFFFF  }
0xc3: {  	(tm) =	ssettm $0x7FFFFFFF  }
tec
execute0_lowered:
.L_overlay_start_1:
0x0: {  	(tag) =	ssettag $0x1  }
0x1: {  	s1 =	rddreg [dreg:$0x0]  }
0x2: {  	s0 =	srdreg.scid;
	s5 =	rddreg [dreg:$0x1]  }
0x3: {  	s8 =	stileid.u32;
	s3 =	rddreg [dreg:$0x2]  }
0x4: {  	s4 =	simm.s32 $0x0;
	s14 =	simm.s32 $0x5;
	s16 =	simm.s32 $0x2C00  }
0x5: {  	s17 =	simm.s32 $0x80;
	s18 =	simm.s32 $0x4400;
	s20 =	simm.s32 $0x5C00  }
0x6: {  	s21 =	simm.s32 $0x180;
	s22 =	simm.s32 $0x7400;
	s23 =	simm.s32 $0x1  }
0x7: {  	s24 =	simm.s32 $0x2;
	s28 =	simm.s32 $0x2A00;
	s29 =	simm.s32 $0x2A80  }
0x8: {  	s30 =	simm.s32 $0x2B00;
	s31 =	simm.s32 $0x2B80;
	s0 =	sand.u32 $0x1, s0  }
0x9: {  	s6 =	smul.u32 $0xED0, s8;
	[smem:$0x7FF] =	sst s4;
	s2 =	sshll.u32 s0, $0x4  }
0xa: {  	s7 =	smul.u32 $0xED00, s0;
	_ =	strace $0x8000004D;
	s0 =	ssub.s32 $0x2, s0  }
0xb: {  	s2 =	sor.u32 s8, s2;
	s8 =	smul.u32 $0x1DA00, s8;
	s25 =	sshrl.u32 s0, $0x1  }
0xc: {  	s2 =	smul.u32 $0x2C0, s2;
	s6 =	sadd.s32 s6, s7;
	s0 =	ssub.s32 s0, s25  }
0xd: {  	s25 =	simm.s32 $0x3;
	s9 =	sadd.s32 s6, s5;
	s26 =	sshrl.u32 s8, $0x2  }
0xe: {  	s10 =	smax.u32 s0, $0x1;
	s2 =	sadd.s32 s2, s5;
	s7 =	sadd.s32 s26, s3  }
0xf: {  	s9 =	sadd.s32 $0xC600, s9;
	s26 =	simm.s32 $0x4;
	s5 =	sadd.s32 $0x82800, s2  }
0x10: {  	s6 =	sadd.s32 $0x6E00, s2;
	s8 =	sadd.s32 $0x6000, s7;
	s11 =	sadd.s32 $0x1800, s7  }
0x11: {  	v0 =	vimm.f32 $0.0e+00;
	s12 =	sadd.s32 $0x3000, s7;
	s13 =	sadd.s32 $0x4800, s7;
	s2 =	simm.s32 $0x0  }
.LBB2_1:
0x12: {  	[tilespmem:s4], [sflag:$0x5] =	stream.linear.gather [hbm4b:s5+s4], $0x1600, $0x38;
	[tilespmem:$0x10280] =	vst v63  }
0x13: {  	_ =	swait.ge [sflag:s14], $0x1600  }
0x14: {  	[sflag:s14] =	ssyncset.done $0x0  }
0x15: {  	s0 =	simm.s32 $0x1600;
	[sflag:s14] =	ssyncadd.s32 $0xFFFFEA00  }
0x16: {  	[tilespmem:s0], [sflag:$0x5] =	stream.linear.gather [hbm4b:s6+s4], $0x1600, $0x38;
	[tilespmem:$0x10280] =	vst v63  }
0x17: {  	_ =	swait.ge [sflag:s14], $0x1600  }
0x18: {  	[sflag:s14] =	ssyncset.done $0x0  }
0x19: {  	s15 =	simm.s32 $0x0;
	s0 =	simm.s32 $0xC0;
	[sflag:s14] =	ssyncadd.s32 $0xFFFFEA00  }
.LBB2_2:
0x1a: {  	p0 =	sne.s32 s0, $0x5F40;
	[tilespmem:s15+$0x2C20] =	vst v0;
	s19 =	smov.u32 s0;
	s0 =	sadd.s32 $0xC0, s0  }
.Ltmp0:
0x1b: {  	[tilespmem:s15+$0x2C00] =	vst v0;
	(pc) =	sbr.rel @p0 .LBB2_2-.Ltmp0, $2  }
0x1c: {  	[tilespmem:s15+$0x2C10] =	vst v0;
	_ =	sdelay $0x2  }
0x1d: {  	s15 =	sshra.s32 s19, $0x2  }
0x1e: {  	[tilespmem:s15+$0x2C20] =	vst v0  }
0x1f: {  	[tilespmem:s15+$0x2C00] =	vst v0  }
0x20: {  	[tilespmem:s15+$0x2C10] =	vst v0  }
0x21: {  	[spmem:s7] =	stream.linear.scatter [tilespmem:s16], [sflag:$0x5], $0x1800, $0x38;
	[tilespmem:$0x10280] =	vst v63  }
0x22: {  	_ =	swait.ge [sflag:s14], $0x1800  }
0x23: {  	[sflag:s14] =	ssyncset.done $0x0  }
0x24: {  	[sflag:s14] =	ssyncadd.s32 $0xFFFFE800  }
0x25: {  	[spmem:s11] =	stream.linear.scatter [tilespmem:s16], [sflag:$0x5], $0x1800, $0x38;
	[tilespmem:$0x10280] =	vst v63  }
0x26: {  	_ =	swait.ge [sflag:s14], $0x1800  }
0x27: {  	[sflag:s14] =	ssyncset.done $0x0  }
0x28: {  	[sflag:s14] =	ssyncadd.s32 $0xFFFFE800  }
0x29: {  	[spmem:s12] =	stream.linear.scatter [tilespmem:s16], [sflag:$0x5], $0x1800, $0x38;
	[tilespmem:$0x10280] =	vst v63  }
0x2a: {  	_ =	swait.ge [sflag:s14], $0x1800  }
0x2b: {  	[sflag:s14] =	ssyncset.done $0x0  }
0x2c: {  	[sflag:s14] =	ssyncadd.s32 $0xFFFFE800  }
0x2d: {  	[spmem:s13] =	stream.linear.scatter [tilespmem:s16], [sflag:$0x5], $0x1800, $0x38;
	[tilespmem:$0x10280] =	vst v63  }
0x2e: {  	_ =	swait.ge [sflag:s14], $0x1800  }
0x2f: {  	[sflag:s14] =	ssyncset.done $0x0  }
0x30: {  	[sflag:s14] =	ssyncadd.s32 $0xFFFFE800  }
0x31: {  	[spmem:s8] =	stream.linear.scatter [tilespmem:s16], [sflag:$0x5], $0x1680, $0x38;
	[tilespmem:$0x10280] =	vst v63  }
0x32: {  	_ =	swait.ge [sflag:s14], $0x1680  }
0x33: {  	[sflag:s14] =	ssyncset.done $0x0  }
0x34: {  	[sflag:s14] =	ssyncadd.s32 $0xFFFFE980  }
0x35: {  	s0 =	simm.s32 $0x0;
	[bflag:$0x0] =	sbarrier.arrive $0xFFFF  }
0x36: {  	[tilespmem:s16], [sflag:$0x1] =	stream.indirect.gather [hbm4b:s1+s17], $0x30, s0, s17, $0xb8;
	[tilespmem:$0x10280] =	vst v63  }
0x37: {  	_ = 	snop  }
0x38: {  	[tilespmem:s18], [sflag:$0x2] =	stream.indirect.gather [hbm4b:s1+s17], $0x30, s17, s17, $0xb8;
	[tilespmem:$0x10280] =	vst v63  }
0x39: {  	s15 =	simm.s32 $0x100  }
0x3a: {  	[tilespmem:s20], [sflag:$0x3] =	stream.indirect.gather [hbm4b:s1+s17], $0x30, s15, s17, $0xb8;
	[tilespmem:$0x10280] =	vst v63  }
0x3b: {  	_ = 	snop  }
0x3c: {  	[tilespmem:s22], [sflag:$0x4] =	stream.indirect.gather [hbm4b:s1+s17], $0x30, s21, s17, $0xb8;
	[tilespmem:$0x10280] =	vst v63  }
0x3d: {  	_ =	swait.ge [sflag:s23], $0x1800  }
0x3e: {  	[sflag:s23] =	ssyncset.done $0x0  }
0x3f: {  	s19 =	simm.s32 $0x1600;
	[sflag:s23] =	ssyncadd.s32 $0xFFFFE800  }
0x40: {  	[spmem:s3] =	stream.indirect.scatter.add.f32 [tilespmem:s16], [sflag:$0x5], $0x30, s19, s17, $0xb8;
	[tilespmem:$0x10280] =	vst v63  }
0x41: {  	_ =	swait.ge [sflag:s14], $0x1800  }
0x42: {  	[sflag:s14] =	ssyncset.done $0x0  }
0x43: {  	s15 =	simm.s32 $0x200;
	[sflag:s14] =	ssyncadd.s32 $0xFFFFE800  }
0x44: {  	[tilespmem:s16], [sflag:$0x1] =	stream.indirect.gather [hbm4b:s1+s17], $0x30, s15, s17, $0xb8;
	[tilespmem:$0x10280] =	vst v63  }
0x45: {  	_ =	swait.ge [sflag:s24], $0x1800  }
0x46: {  	[sflag:s24] =	ssyncset.done $0x0  }
0x47: {  	s19 =	simm.s32 $0x1680;
	[sflag:s24] =	ssyncadd.s32 $0xFFFFE800  }
0x48: {  	[spmem:s3] =	stream.indirect.scatter.add.f32 [tilespmem:s18], [sflag:$0x5], $0x30, s19, s17, $0xb8;
	[tilespmem:$0x10280] =	vst v63  }
0x49: {  	_ =	swait.ge [sflag:s14], $0x1800  }
0x4a: {  	[sflag:s14] =	ssyncset.done $0x0  }
0x4b: {  	s15 =	simm.s32 $0x280;
	[sflag:s14] =	ssyncadd.s32 $0xFFFFE800  }
0x4c: {  	[tilespmem:s18], [sflag:$0x2] =	stream.indirect.gather [hbm4b:s1+s17], $0x30, s15, s17, $0xb8;
	[tilespmem:$0x10280] =	vst v63  }
0x4d: {  	_ =	swait.ge [sflag:s25], $0x1800  }
0x4e: {  	[sflag:s25] =	ssyncset.done $0x0  }
0x4f: {  	s19 =	simm.s32 $0x1700;
	[sflag:s25] =	ssyncadd.s32 $0xFFFFE800  }
0x50: {  	[spmem:s3] =	stream.indirect.scatter.add.f32 [tilespmem:s20], [sflag:$0x5], $0x30, s19, s17, $0xb8;
	[tilespmem:$0x10280] =	vst v63  }
0x51: {  	_ =	swait.ge [sflag:s14], $0x1800  }
0x52: {  	[sflag:s14] =	ssyncset.done $0x0  }
0x53: {  	s15 =	simm.s32 $0x300;
	[sflag:s14] =	ssyncadd.s32 $0xFFFFE800  }
0x54: {  	[tilespmem:s20], [sflag:$0x3] =	stream.indirect.gather [hbm4b:s1+s17], $0x30, s15, s17, $0xb8;
	[tilespmem:$0x10280] =	vst v63  }
0x55: {  	_ =	swait.ge [sflag:s26], $0x1800  }
0x56: {  	[sflag:s26] =	ssyncset.done $0x0  }
0x57: {  	s19 =	simm.s32 $0x1780;
	[sflag:s26] =	ssyncadd.s32 $0xFFFFE800  }
0x58: {  	[spmem:s3] =	stream.indirect.scatter.add.f32 [tilespmem:s22], [sflag:$0x5], $0x30, s19, s17, $0xb8;
	[tilespmem:$0x10280] =	vst v63  }
0x59: {  	_ =	swait.ge [sflag:s14], $0x1800  }
0x5a: {  	[sflag:s14] =	ssyncset.done $0x0  }
0x5b: {  	s0 =	simm.s32 $0x800;
	s15 =	simm.s32 $0x380;
	[sflag:s14] =	ssyncadd.s32 $0xFFFFE800  }
.LBB2_4:
0x5c: {  	[tilespmem:s22], [sflag:$0x4] =	stream.indirect.gather [hbm4b:s1+s17], $0x30, s15, s17, $0xb8;
	[tilespmem:$0x10280] =	vst v63  }
0x5d: {  	s15 =	smov.u32 s0  }
0x5e: {  	p0 =	sne.s32 s0, $0x4800;
	s0 =	sadd.s32 $0x800, s0;
	_ =	swait.ge [sflag:s23], $0x1800  }
0x5f: {  	s15 =	sshra.s32 s15, $0x2;
	[sflag:s23] =	ssyncset.done $0x0  }
0x60: {  	s19 =	sadd.s32 $0x1600, s15;
	[sflag:s23] =	ssyncadd.s32 $0xFFFFE800  }
0x61: {  	[spmem:s3] =	stream.indirect.scatter.add.f32 [tilespmem:s16], [sflag:$0x5], $0x30, s19, s17, $0xb8;
	[tilespmem:$0x10280] =	vst v63  }
0x62: {  	_ =	swait.ge [sflag:s14], $0x1800  }
0x63: {  	[sflag:s14] =	ssyncset.done $0x0  }
0x64: {  	s19 =	sadd.s32 $0x200, s15;
	[sflag:s14] =	ssyncadd.s32 $0xFFFFE800  }
0x65: {  	[tilespmem:s16], [sflag:$0x1] =	stream.indirect.gather [hbm4b:s1+s17], $0x30, s19, s17, $0xb8;
	[tilespmem:$0x10280] =	vst v63  }
0x66: {  	_ =	swait.ge [sflag:s24], $0x1800  }
0x67: {  	[sflag:s24] =	ssyncset.done $0x0  }
0x68: {  	s19 =	sadd.s32 $0x1680, s15;
	[sflag:s24] =	ssyncadd.s32 $0xFFFFE800  }
0x69: {  	[spmem:s3] =	stream.indirect.scatter.add.f32 [tilespmem:s18], [sflag:$0x5], $0x30, s19, s17, $0xb8;
	[tilespmem:$0x10280] =	vst v63  }
0x6a: {  	_ =	swait.ge [sflag:s14], $0x1800  }
0x6b: {  	[sflag:s14] =	ssyncset.done $0x0  }
0x6c: {  	s19 =	sadd.s32 $0x280, s15;
	[sflag:s14] =	ssyncadd.s32 $0xFFFFE800  }
0x6d: {  	[tilespmem:s18], [sflag:$0x2] =	stream.indirect.gather [hbm4b:s1+s17], $0x30, s19, s17, $0xb8;
	[tilespmem:$0x10280] =	vst v63  }
0x6e: {  	_ =	swait.ge [sflag:s25], $0x1800  }
0x6f: {  	[sflag:s25] =	ssyncset.done $0x0  }
0x70: {  	s19 =	sadd.s32 $0x1700, s15;
	[sflag:s25] =	ssyncadd.s32 $0xFFFFE800  }
0x71: {  	[spmem:s3] =	stream.indirect.scatter.add.f32 [tilespmem:s20], [sflag:$0x5], $0x30, s19, s17, $0xb8;
	[tilespmem:$0x10280] =	vst v63  }
0x72: {  	_ =	swait.ge [sflag:s14], $0x1800  }
0x73: {  	[sflag:s14] =	ssyncset.done $0x0  }
0x74: {  	s19 =	sadd.s32 $0x300, s15;
	[sflag:s14] =	ssyncadd.s32 $0xFFFFE800  }
0x75: {  	[tilespmem:s20], [sflag:$0x3] =	stream.indirect.gather [hbm4b:s1+s17], $0x30, s19, s17, $0xb8;
	[tilespmem:$0x10280] =	vst v63  }
0x76: {  	_ =	swait.ge [sflag:s26], $0x1800  }
0x77: {  	[sflag:s26] =	ssyncset.done $0x0  }
.Ltmp1:
0x78: {  	s19 =	sadd.s32 $0x1780, s15;
	[sflag:s26] =	ssyncadd.s32 $0xFFFFE800;
	(pc) =	sbr.rel @p0 .LBB2_4-.Ltmp1, $4  }
0x79: {  	[spmem:s3] =	stream.indirect.scatter.add.f32 [tilespmem:s22], [sflag:$0x5], $0x30, s19, s17, $0xb8;
	[tilespmem:$0x10280] =	vst v63  }
0x7a: {  	_ =	swait.ge [sflag:s14], $0x1800  }
0x7b: {  	[sflag:s14] =	ssyncset.done $0x0  }
0x7c: {  	s15 =	sadd.s32 $0x380, s15;
	[sflag:s14] =	ssyncadd.s32 $0xFFFFE800  }
0x7d: {  	[tilespmem:s22], [sflag:$0x4] =	stream.indirect.gather [hbm4b:s1+s17], $0x30, s15, s17, $0xb8;
	[tilespmem:$0x10280] =	vst v63  }
0x7e: {  	_ =	swait.ge [sflag:s23], $0x1800  }
0x7f: {  	[sflag:s23] =	ssyncset.done $0x0  }
0x80: {  	[sflag:s23] =	ssyncadd.s32 $0xFFFFE800  }
0x81: {  	[spmem:s3] =	stream.indirect.scatter.add.f32 [tilespmem:s16], [sflag:$0x5], $0x30, s28, s17, $0xb8;
	[tilespmem:$0x10280] =	vst v63  }
0x82: {  	_ =	swait.ge [sflag:s14], $0x1800  }
0x83: {  	[sflag:s14] =	ssyncset.done $0x0  }
0x84: {  	[sflag:s14] =	ssyncadd.s32 $0xFFFFE800  }
0x85: {  	_ =	swait.ge [sflag:s24], $0x1800  }
0x86: {  	[sflag:s24] =	ssyncset.done $0x0  }
0x87: {  	[sflag:s24] =	ssyncadd.s32 $0xFFFFE800  }
0x88: {  	[spmem:s3] =	stream.indirect.scatter.add.f32 [tilespmem:s18], [sflag:$0x5], $0x30, s29, s17, $0xb8;
	[tilespmem:$0x10280] =	vst v63  }
0x89: {  	_ =	swait.ge [sflag:s14], $0x1800  }
0x8a: {  	[sflag:s14] =	ssyncset.done $0x0  }
0x8b: {  	[sflag:s14] =	ssyncadd.s32 $0xFFFFE800  }
0x8c: {  	_ =	swait.ge [sflag:s25], $0x1800  }
0x8d: {  	[sflag:s25] =	ssyncset.done $0x0  }
0x8e: {  	[sflag:s25] =	ssyncadd.s32 $0xFFFFE800  }
0x8f: {  	[spmem:s3] =	stream.indirect.scatter.add.f32 [tilespmem:s20], [sflag:$0x5], $0x30, s30, s17, $0xb8;
	[tilespmem:$0x10280] =	vst v63  }
0x90: {  	_ =	swait.ge [sflag:s14], $0x1800  }
0x91: {  	[sflag:s14] =	ssyncset.done $0x0  }
0x92: {  	[sflag:s14] =	ssyncadd.s32 $0xFFFFE800  }
0x93: {  	_ =	swait.ge [sflag:s26], $0x1800  }
0x94: {  	[sflag:s26] =	ssyncset.done $0x0  }
0x95: {  	[sflag:s26] =	ssyncadd.s32 $0xFFFFE800  }
0x96: {  	[spmem:s3] =	stream.indirect.scatter.add.f32 [tilespmem:s22], [sflag:$0x5], $0x30, s31, s17, $0xb8;
	[tilespmem:$0x10280] =	vst v63  }
0x97: {  	s0 =	stileid.u32;
	_ =	swait.ge [sflag:s14], $0x1800  }
0x98: {  	s19 =	sshrl.u32 s7, $0x3;
	s2 =	sadd.s32 $0x1, s2;
	[sflag:s14] =	ssyncset.done $0x0  }
0x99: {  	s0 =	sshll.u32 s0, $0x6;
	p0 =	sne.s32 s2, s10;
	[sflag:s14] =	ssyncadd.s32 $0xFFFFE800  }
.Ltmp2:
0x9a: {  	s0 =	sor.u32 $0x1C05, s0;
	[bflag:$0x0] =	sbarrier.arrive $0xFFFF;
	(pc) =	sbr.rel @p0 .LBB2_1-.Ltmp2, $4  }
0x9b: {  	[hbm:s9], [sflag:s0] =	dma.local [spmem:s19], $0xED0  }
0x9c: {  	_ =	swait.ge [sflag:s14], $0xED0  }
0x9d: {  	[sflag:s14] =	ssyncset.done $0x0  }
0x9e: {  	[sflag:s14] =	ssyncadd.s32 $0xFFFFF130  }
0x9f: {  	_ =	sfence.sel $0x180000  }
0xa0: {  	[bflag:$0x0] =	sbarrier.arrive $0xFFFF  }
0xa1: {  	_ =	strace $0x9000004D  }
0xa2: {  	s0 =	stileid.u32;
	[bflag:$0x2] =	sbarrier.arrive $0xFFFF  }
0xa3: {  	p0 =	sne.s32 s0, $0x0;
	s0 =	rddreg [dreg:$0x3]  }
0xa4: {  	s0 =	sadd.s32 @!p0 $0x100000, s0  }
0xa5: {  	[sflag:s0] =	ssyncadd.tile.s32 @!p0 $0x1;
	_ =	shalt  }
.Lfunc_end2:
_tile_overlayer_lowered:
.L_overlay_start_2:
0xa6: {  	(tag) =	ssettag $0x2  }
0xa7: {  	s0 =	rddreg [dreg:$0x0];
	s2 =	stileid.u32  }
0xa8: {  	s1 =	rddreg [dreg:$0x1];
	p0 =	sne.s32 s2, $0x0  }
0xa9: {  	s3 =	rddreg [dreg:$0x2];
	[bflag:$0x3] =	sbarrier.arrive $0xFFFF;
	s2 =	simm.s32 @!p0 $0x1C05  }
0xaa: {  	[timem:s3], [sflag:s2] =	dma.local @!p0 [hbm:s0], s1  }
0xab: {  	s0 =	simm.s32 @!p0 $0x5  }
0xac: {  	_ =	swait.ge @!p0 [sflag:s0], s1  }
0xad: {  	s1 =	ssub.s32 @!p0 $0x0, s1;
	[sflag:s0] =	ssyncset.done @!p0 $0x0  }
0xae: {  	[sflag:s0] =	ssyncadd.s32 @!p0 s1  }
0xaf: {  	[bflag:$0x3] =	sbarrier.arrive $0xFFFF  }
0xb0: {  	_ =	shalt  }

// kernel: kernel.8.cloned.1.call-start
scs
__scs_entry_jumppad:
0x0: {  	(pc) =	sbr.rel $0x88, $3  }
0x1: {  	(tag) =	ssettag $0x0;
	lr =	simm.s32 $0x1  }
0x2: {  	[smem:$0x3F9B] =	sst lr;
	_ =	strace $0xD0000000  }
0x3: {  	_ = 	snop  }
0x4: {  	_ = 	snop  }
0x5: {  	_ = 	snop  }
0x6: {  	_ = 	snop  }
0x7: {  	_ = 	snop  }
__scs_overlays_trampoline_lowered:
0x8: {  	[smem:$0x3FAA] =	sst s0  }
0x9: {  	[smem:$0x3FAB] =	sst s1  }
0xa: {  	[smem:$0x3FAC] =	sst s2  }
0xb: {  	[smem:$0x3FAD] =	sst s3  }
0xc: {  	[smem:$0x3FAE] =	sst s4  }
0xd: {  	[smem:$0x3FAF] =	sst s5  }
0xe: {  	[smem:$0x3FB0] =	sst s6  }
0xf: {  	[smem:$0x3FB1] =	sst s7  }
0x10: {  	[smem:$0x3FB2] =	sst s8  }
0x11: {  	[smem:$0x3FB3] =	sst s9;
	s0 =	simm.s32 @!p0 $0x0  }
0x12: {  	s1 =	sld [smem:$0x3F99];
	s0 =	simm.s32 @p0 $0x1  }
0x13: {  	[smem:$0x3FB4] =	sst s0;
	s0 =	simm.s32 @!p1 $0x0  }
0x14: {  	s2 =	sld [smem:$0x3F98];
	s0 =	simm.s32 @p1 $0x1  }
0x15: {  	[smem:$0x3FB5] =	sst s0;
	s0 =	simm.s32 @!p2 $0x0  }
0x16: {  	s3 =	sld [smem:$0x3FDB];
	s0 =	simm.s32 @p2 $0x1  }
0x17: {  	s4 =	simm.s32 $0x1BF5;
	[smem:$0x3FB7] =	sst s0  }
0x18: {  	s0 =	sld [smem:$0x3F9A];
	_ =	swait.ge [sflag:s4], $0x0  }
0x19: {  	s7 =	sld [smem:$0x3F9B]  }
0x1a: {  	s8 =	sadd.s32 $0xFFFFE003, lr  }
0x1b: {  	s9 =	sadd.s32 $0xFFFFFEF7, lr;
	s5 =	simm.s32 $0xFFFFFFFF;
	p2 =	slt.u32 s8, $0xFFFFF086  }
0x1c: {  	p1 =	slt.u32 s9, $0xF7A;
	s5 =	simm.s32 @!p2 $0x0  }
0x1d: {  	s5 =	simm.s32 @p1 $0x1;
	p0 =	seq.s32 s7, s2  }
0x1e: {  	s7 =	smul.u32 @!p0 $0xF7A, s2;
	p2 =	seq.s32 @!p0 s5, $0x0  }
0x1f: {  	s9 =	smul.u32 $0xF7A, s1;
	s8 =	simm.s32 @!p0 $0x1BF5;
	p2 =	por !p2, p0  }
0x20: {  	[sflag:s8] =	ssyncset.s32 @!p0 $0xFFFFF086;
	s6 =	sadd.s32 @!p0 s3, s7;
	s7 =	simm.s32 @!p0 $0x108  }
0x21: {  	s3 =	sadd.s32 s3, s9;
	s6 =	sadd.s32 @!p0 $0x88, s6;
	s7 =	simm.s32 @p2 $0x1082  }
0x22: {  	[simem:s7], [sflag:s8] =	dma.local @!p0 [hbm:s6], $0xF7A  }
0x23: {  	s9 =	sor.u32 $0xD0000000, s2;
	s6 =	simm.s32 $0x108;
	_ =	swait.ge @!p0 [sflag:s8], $0x0  }
0x24: {  	s3 =	sadd.s32 $0x88, s3;
	s6 =	simm.s32 @!p1 $0x1082;
	[sflag:s4] =	ssyncset.s32 $0xFFFFF086  }
0x25: {  	[simem:s6], [sflag:s4] =	dma.local [hbm:s3], $0xF7A  }
0x26: {  	[smem:$0x3F9B] =	sst s1;
	(tag) =	ssettag s2;
	_ =	strace s9  }
0x27: {  	s1 =	sld [smem:$0x3FAB]  }
0x28: {  	s2 =	sld [smem:$0x3FAC]  }
0x29: {  	s4 =	sld [smem:$0x3FAE]  }
0x2a: {  	p0 =	seq.s32 s5, $0x0;
	s5 =	sld [smem:$0x3FAF]  }
0x2b: {  	s6 =	sld [smem:$0x3FB0]  }
0x2c: {  	s7 =	sld [smem:$0x3FB1]  }
0x2d: {  	s3 =	simm.s32 $0x108;
	s8 =	sld [smem:$0x3FB2]  }
0x2e: {  	s3 =	simm.s32 @!p0 $0x1082;
	s9 =	sld [smem:$0x3FB3]  }
0x2f: {  	lr =	sadd.s32 s0, s3;
	s0 =	sld [smem:$0x3FAA]  }
0x30: {  	s3 =	sld [smem:$0x3FAD]  }
0x31: {  	[smem:$0x3FB6] =	sst s10  }
0x32: {  	s10 =	sld [smem:$0x3FB4];
	_ =	sdelay $0x3  }
0x33: {  	p0 =	seq.s32 s10, $0x1;
	s10 =	sld [smem:$0x3FB6];
	_ =	sdelay $0x3  }
0x34: {  	[smem:$0x3FB6] =	sst s10  }
0x35: {  	s10 =	sld [smem:$0x3FB5];
	_ =	sdelay $0x3  }
0x36: {  	p1 =	seq.s32 s10, $0x1;
	s10 =	sld [smem:$0x3FB6];
	_ =	sdelay $0x3  }
0x37: {  	[smem:$0x3FB6] =	sst s10  }
0x38: {  	s10 =	sld [smem:$0x3FB7]  }
0x39: {  	_ = 	snop;
	(pc) =	sbr.ind lr, $3  }
0x3a: {  	_ = 	snop  }
0x3b: {  	_ = 	snop  }
0x3c: {  	p2 =	seq.s32 s10, $0x1;
	s10 =	sld [smem:$0x3FB6]  }
0x3d: {  	_ =	shalt  }
0x3e: {  	_ =	shalt  }
0x3f: {  	_ =	shalt  }
0x40: {  	_ =	shalt  }
0x41: {  	_ =	shalt  }
0x42: {  	_ =	shalt  }
0x43: {  	_ =	shalt  }
0x44: {  	_ =	shalt  }
0x45: {  	_ =	shalt  }
0x46: {  	_ =	shalt  }
0x47: {  	_ =	shalt  }
0x48: {  	_ =	shalt  }
0x49: {  	_ =	shalt  }
0x4a: {  	_ =	shalt  }
0x4b: {  	_ =	shalt  }
0x4c: {  	_ =	shalt  }
0x4d: {  	_ =	shalt  }
0x4e: {  	_ =	shalt  }
0x4f: {  	_ =	shalt  }
0x50: {  	_ =	shalt  }
0x51: {  	_ =	shalt  }
0x52: {  	_ =	shalt  }
0x53: {  	_ =	shalt  }
0x54: {  	_ =	shalt  }
0x55: {  	_ =	shalt  }
0x56: {  	_ =	shalt  }
0x57: {  	_ =	shalt  }
0x58: {  	_ =	shalt  }
0x59: {  	_ =	shalt  }
0x5a: {  	_ =	shalt  }
0x5b: {  	_ =	shalt  }
0x5c: {  	_ =	shalt  }
0x5d: {  	_ =	shalt  }
0x5e: {  	_ =	shalt  }
0x5f: {  	_ =	shalt  }
0x60: {  	_ =	shalt  }
0x61: {  	_ =	shalt  }
0x62: {  	_ =	shalt  }
0x63: {  	_ =	shalt  }
0x64: {  	_ =	shalt  }
0x65: {  	_ =	shalt  }
0x66: {  	_ =	shalt  }
0x67: {  	_ =	shalt  }
0x68: {  	_ =	shalt  }
0x69: {  	_ =	shalt  }
0x6a: {  	_ =	shalt  }
0x6b: {  	_ =	shalt  }
0x6c: {  	_ =	shalt  }
0x6d: {  	_ =	shalt  }
0x6e: {  	_ =	shalt  }
0x6f: {  	_ =	shalt  }
0x70: {  	_ =	shalt  }
0x71: {  	_ =	shalt  }
0x72: {  	_ =	shalt  }
0x73: {  	_ =	shalt  }
0x74: {  	_ =	shalt  }
0x75: {  	_ =	shalt  }
0x76: {  	_ =	shalt  }
0x77: {  	_ =	shalt  }
0x78: {  	_ =	shalt  }
0x79: {  	_ =	shalt  }
0x7a: {  	_ =	shalt  }
0x7b: {  	_ =	shalt  }
0x7c: {  	_ =	shalt  }
0x7d: {  	_ =	shalt  }
0x7e: {  	_ =	shalt  }
0x7f: {  	_ =	shalt  }
0x80: {  	_ =	shalt  }
0x81: {  	_ =	shalt  }
0x82: {  	_ =	shalt  }
0x83: {  	_ =	shalt  }
0x84: {  	_ =	shalt  }
0x85: {  	_ =	shalt  }
0x86: {  	_ =	shalt  }
0x87: {  	_ =	shalt  }
.Lfunc_end0:
.L_simem_size_0:
called_computation_lowered:
.L_overlay_start_0:
0x88: {  	s2 =	sld [smem:$0x3FD9]  }
0x89: {  	s3 =	sld [smem:$0x3FFE];
	_ =	sdelay $0x1  }
0x8a: {  	s1 =	srdreg.scid  }
0x8b: {  	s0 =	sand.u32 $0x1, s1  }
0x8c: {  	s16 =	sshll.u32 s0, $0xA;
	s2 =	sadd.s32 s3, s2  }
0x8d: {  	s2 =	sadd.s32 s2, s16  }
0x8e: {  	[smem:$0x3FC2] =	sst s2  }
0x8f: {  	_ = 	snop  }
0x90: {  	(tm) =	ssettm $0x1  }
0x91: {  	s17 =	sld [smem:$0x3FFB];
	_ =	sdelay $0x3  }
0x92: {  	_ =	strace s17  }
0x93: {  	s2 =	sld [smem:$0x3FFC];
	_ =	sdelay $0x3  }
0x94: {  	_ =	strace s2  }
0x95: {  	s2 =	sld [smem:$0x3FFD];
	_ =	sdelay $0x3  }
0x96: {  	_ =	strace s2  }
0x97: {  	_ =	strace $0x8FFFFFFF  }
0x98: {  	s18 =	sld [smem:$0x3FDB];
	_ =	sdelay $0x1  }
0x99: {  	s19 =	simm.s32 $_scs_section_size  }
0x9a: {  	s4 =	simm.s32 $_size__tile_overlayer_lowered;
	s5 =	simm.s32 $_tile_overlayer_lowered  }
0x9b: {  	s22 =	simm.s32 $0x1BFF;
	s21 =	sshll.u32 s5, $0x1;
	s2 =	sadd.s32 s19, s18  }
0x9c: {  	s6 =	simm.s32 $0x0;
	s20 =	sshll.u32 s4, $0x1;
	s4 =	sadd.s32 s21, s2  }
0x9d: {  	[timem:s6], [sflag:s22] =	dma.local [hbm:s4], s20  }
0x9e: {  	_ =	swait.ge [sflag:s22], s20  }
0x9f: {  	s3 =	ssub.s32 $0x0, s20;
	[sflag:s22] =	ssyncset.done $0x0  }
0xa0: {  	[sflag:s22] =	ssyncadd.s32 s3;
	_ =	sdelay $0x1  }
0xa1: {  	s23 =	simm.s32 $0x1B8B  }
0xa2: {  	_ =	swait.ge [sflag:s23], $0x1  }
0xa3: {  	[sflag:s23] =	ssyncset.done $0x0  }
0xa4: {  	s25 =	simm.s32 $0x1B8E;
	s24 =	sld [smem:$0x3FFE];
	[sflag:s23] =	ssyncadd.s32 $0xFFFFFFFF  }
0xa5: {  	s26 =	simm.s32 $execute0_lowered;
	[smem:$0x3FD2] =	sst s25  }
0xa6: {  	s4 =	sshll.u32 s26, $0x1;
	_ =	strace $0x80000046;
	[dreg:$0x1] =	wrdreg $0xFFFFFFFF  }
0xa7: {  	s28 =	simm.s32 $_size_execute0_lowered;
	s2 =	sadd.s32 s2, s4;
	[dreg:$0x0] =	wrdreg $0x0  }
0xa8: {  	s4 =	sshll.u32 s28, $0x1;
	[dreg:$0x2] =	wrdreg s2  }
0xa9: {  	[dreg:$0x3] =	wrdreg s4  }
0xaa: {  	[dreg:$0x4] =	wrdreg $0xC0  }
0xab: {  	_ =	task [dreg:s6], $0x5FFFF  }
0xac: {  	[dreg:$0x1] =	wrdreg $0xFFFFFFFF  }
0xad: {  	[dreg:$0x0] =	wrdreg $0x60  }
0xae: {  	[dreg:$0x2] =	wrdreg s24  }
0xaf: {  	[dreg:$0x3] =	wrdreg $0x4FF80  }
0xb0: {  	[dreg:$0x4] =	wrdreg $0x9  }
0xb1: {  	_ =	task.clear_ibuf [dreg:s6], $0x5FFFF;
	_ =	strace $0x90000046  }
0xb2: {  	s29 =	simm.s32 $0x9;
	_ =	strace $0x80000048  }
0xb3: {  	_ =	swait.ge [sflag:s29], $0x1  }
0xb4: {  	[sflag:s29] =	ssyncadd.s32 $0xFFFFFFFF  }
0xb5: {  	_ =	strace $0x90000048  }
0xb6: {  	_ =	sfence  }
0xb7: {  	s30 =	sld [smem:$0x0];
	_ =	sdelay $0x2  }
0xb8: {  	s31 =	sshll.u32 s1, $0xD;
	s1 =	sshrl.u32 s1, $0x2  }
0xb9: {  	s3 =	sand.u32 $0x4000, s31;
	s1 =	sadd.s32 s1, s30  }
0xba: {  	s0 =	sor.u32 s3, s0;
	s1 =	sshll.u32 s1, $0x11  }
0xbb: {  	s0 =	sor.u32 s1, s0  }
0xbc: {  	s0 =	sadd.s32 $0x8F2B, s0  }
0xbd: {  	[sflag:s0] =	ssyncadd.remote.s32 $0x1  }
0xbe: {  	_ =	sfence.sel $0xFFFF  }
0xbf: {  	[dreg:$0x0] =	wrdreg $0xFFFFFFFF;
	(pc) =	sbr.abs _section_cstart, $3  }
0xc0: {  	[dreg:$0x1] =	wrdreg $0xFFFFFFFF  }
0xc1: {  	_ =	task.clear_ibuf [dreg:s6], $0x2FFFF;
	_ =	strace $0x9FFFFFFF  }
0xc2: {  	(tm) =	ssettm $0x7FFFFFFF  }
0xc3: {  	_ =	shalt  }
tec
execute0_lowered:
.L_overlay_start_1:
0x0: {  	(tag) =	ssettag $0x1  }
0x1: {  	s0 =	srdreg.scid;
	s5 =	rddreg [dreg:$0x0]  }
0x2: {  	s2 =	rddreg [dreg:$0x1];
	s3 =	simm.s32 $0x0;
	s12 =	simm.s32 $0x1E00  }
0x3: {  	s13 =	simm.s32 $0x1;
	s14 =	simm.s32 $0x80;
	s15 =	simm.s32 $0x1600  }
0x4: {  	s16 =	simm.s32 $0x2600;
	s4 =	sand.u32 $0x1, s0;
	s0 =	stileid.u32  }
0x5: {  	s17 =	simm.s32 $0x4D80;
	s18 =	simm.s32 $0x0;
	s7 =	smul.u32 $0x278, s0  }
0x6: {  	[smem:$0x7FF] =	sst s3;
	s1 =	sshll.u32 s4, $0x4;
	s8 =	smul.u32 $0x2780, s4  }
0x7: {  	s9 =	smul.u32 $0x9E00, s0;
	s29 =	ssub.s32 $0x2, s4;
	s1 =	sor.u32 s0, s1  }
0x8: {  	s31 =	sshrl.u32 s29, $0x1;
	s6 =	smul.u32 $0x2C0, s1;
	s1 =	rddreg [dreg:$0x2]  }
0x9: {  	_ =	strace $0x80000047;
	s7 =	sadd.s32 s7, s8;
	s30 =	sshrl.u32 s9, $0x2  }
0xa: {  	v0 =	vlaneseq.u32;
	s8 =	ssub.s32 s29, s31;
	s7 =	sshrl.u32 s7, $0x3;
	s4 =	sadd.s32 s30, s2  }
0xb: {  	v0 =	vmul.u32 $0x10, v0;
	s8 =	smax.u32 s8, $0x1;
	s6 =	sadd.s32 s6, s5;
	s7 =	sadd.s32 s7, s5  }
0xc: {  	s5 =	sadd.s32 $0x2000, s4;
	s9 =	sadd.s32 $0x800, s4;
	s10 =	sadd.s32 $0x1000, s4  }
0xd: {  	v1 =	vimm.f32 $1.000000000e+00;
	v2 =	vimm.f32 $0.0e+00;
	v3 =	vadd.s32 $0x2680, v0;
	s11 =	sadd.s32 $0x1800, s4;
	s6 =	sadd.s32 $0x6E00, s6;
	s7 =	sadd.s32 $0xC600, s7  }
.LBB2_1:
0xe: {  	s19 =	simm.s32 $0x40;
	s20 =	simm.s32 $0x0  }
.LBB2_2:
0xf: {  	p0 =	sne.s32 s19, $0x1FC0;
	[tilespmem:s20+$0x1600] =	vst v1;
	s21 =	smov.u32 s19;
	s19 =	sadd.s32 $0x40, s19  }
.Ltmp0:
0x10: {  	[tilespmem:s20+$0x1E00] =	vst v2;
	(pc) =	sbr.rel @p0 .LBB2_2-.Ltmp0, $2  }
0x11: {  	_ =	sdelay $0x2  }
0x12: {  	s20 =	sshra.s32 s21, $0x2  }
0x13: {  	[tilespmem:s20+$0x1600] =	vst v1  }
0x14: {  	[tilespmem:s20+$0x1E00] =	vst v2  }
0x15: {  	[spmem:s4] =	stream.linear.scatter [tilespmem:s12], [sflag:$0x1], $0x800, $0x38;
	[tilespmem:$0x7778] =	vst v63  }
0x16: {  	_ =	swait.ge [sflag:s13], $0x800  }
0x17: {  	[sflag:s13] =	ssyncset.done $0x0  }
0x18: {  	[sflag:s13] =	ssyncadd.s32 $0xFFFFF800  }
0x19: {  	[spmem:s9] =	stream.linear.scatter [tilespmem:s12], [sflag:$0x1], $0x800, $0x38;
	[tilespmem:$0x7778] =	vst v63  }
0x1a: {  	_ =	swait.ge [sflag:s13], $0x800  }
0x1b: {  	[sflag:s13] =	ssyncset.done $0x0  }
0x1c: {  	[sflag:s13] =	ssyncadd.s32 $0xFFFFF800  }
0x1d: {  	[spmem:s10] =	stream.linear.scatter [tilespmem:s12], [sflag:$0x1], $0x800, $0x38;
	[tilespmem:$0x7778] =	vst v63  }
0x1e: {  	_ =	swait.ge [sflag:s13], $0x800  }
0x1f: {  	[sflag:s13] =	ssyncset.done $0x0  }
0x20: {  	[sflag:s13] =	ssyncadd.s32 $0xFFFFF800  }
0x21: {  	[spmem:s11] =	stream.linear.scatter [tilespmem:s12], [sflag:$0x1], $0x800, $0x38;
	[tilespmem:$0x7778] =	vst v63  }
0x22: {  	_ =	swait.ge [sflag:s13], $0x800  }
0x23: {  	[sflag:s13] =	ssyncset.done $0x0  }
0x24: {  	[sflag:s13] =	ssyncadd.s32 $0xFFFFF800  }
0x25: {  	[spmem:s5] =	stream.linear.scatter [tilespmem:s12], [sflag:$0x1], $0x780, $0x38;
	[tilespmem:$0x7778] =	vst v63  }
0x26: {  	_ =	swait.ge [sflag:s13], $0x780  }
0x27: {  	[sflag:s13] =	ssyncset.done $0x0  }
0x28: {  	s19 =	simm.s32 $0x0;
	[sflag:s13] =	ssyncadd.s32 $0xFFFFF880  }
0x29: {  	[tilespmem:s19], [sflag:$0x1] =	stream.linear.gather [hbm4b:s6+s19], $0x1600, $0x38;
	[tilespmem:$0x7778] =	vst v63  }
0x2a: {  	_ =	swait.ge [sflag:s13], $0x1600  }
0x2b: {  	[sflag:s13] =	ssyncset.done $0x0  }
0x2c: {  	[sflag:s13] =	ssyncadd.s32 $0xFFFFEA00  }
0x2d: {  	s31 =	simm.s32 $0x0;
	[bflag:$0x0] =	sbarrier.arrive $0xFFFF  }
0x2e: {  	[spmem:s2] =	stream.indirect.scatter.add.f32 [tilespmem:s15], [sflag:$0x1], $0x10, s31, s14, $0xb8;
	[tilespmem:$0x7778] =	vst v63  }
0x2f: {  	_ =	swait.ge [sflag:s13], $0x800  }
0x30: {  	s19 =	simm.s32 $0x200;
	[sflag:s13] =	ssyncset.done $0x0  }
.LBB2_4:
0x31: {  	s20 =	sshra.s32 s19, $0x2;
	[sflag:s13] =	ssyncadd.s32 $0xFFFFF800;
	p0 =	sne.s32 s19, $0x5600  }
0x32: {  	[spmem:s2] =	stream.indirect.scatter.add.f32 [tilespmem:s15], [sflag:$0x1], $0x10, s20, s14, $0xb8;
	[tilespmem:$0x7778] =	vst v63  }
.Ltmp1:
0x33: {  	_ = 	snop;
	(pc) =	sbr.rel @p0 .LBB2_4-.Ltmp1, $4  }
0x34: {  	_ = 	snop  }
0x35: {  	s19 =	sadd.s32 $0x200, s19  }
0x36: {  	_ =	swait.ge [sflag:s13], $0x800  }
0x37: {  	[sflag:s13] =	ssyncset.done $0x0  }
0x38: {  	s19 =	simm.s32 $0x0  }
0x39: {  	v4 =	vmov s19  }
0x3a: {  	[sflag:s13] =	ssyncadd.s32 $0xFFFFF800;
	v4 =	vshll.u32 v4, $0x4  }
0x3b: {  	[bflag:$0x0] =	sbarrier.arrive $0xFFFF;
	v4 =	vadd.s32 v0, v4  }
0x3c: {  	[tilespmem:s16], [sflag:$0x1] =	stream.linear.gather [spmem:s4], $0x2780, $0x38;
	[tilespmem:$0x7778] =	vst v63  }
0x3d: {  	_ =	swait.ge [sflag:s13], $0x2780  }
0x3e: {  	s31 =	simm.s32 $0x10;
	[sflag:s13] =	ssyncset.done $0x0  }
0x3f: {  	v5 =	vmov s31;
	[sflag:s13] =	ssyncadd.s32 $0xFFFFD880  }
0x40: {  	v5 =	vshll.u32 v5, $0x4;
	v4 =	vld.idx.msk [tilespmem:v4+s16+$0x0], $0xffff  }
0x41: {  	v6 =	vadd.s32 v0, v5;
	_ =	sdelay $0x2  }
0x42: {  	s19 =	simm.s32 $0x4D80  }
0x43: {  	s20 =	simm.s32 $0x20;
	[tilespmem:s19+$0x0] =	vst v4  }
0x44: {  	v5 =	vmov s20;
	s20 =	simm.s32 $0x30;
	v4 =	vld.idx.msk [tilespmem:v6+s16+$0x0], $0xffff  }
.LBB2_6:
0x45: {  	p0 =	sne.s32 s20, $0x260;
	v5 =	vshll.u32 v5, $0x4  }
0x46: {  	v6 =	vadd.s32 v0, v5  }
.Ltmp2:
0x47: {  	(pc) =	sbr.rel @p0 .LBB2_6-.Ltmp2, $4  }
0x48: {  	_ = 	snop  }
0x49: {  	s19 =	sadd.s32 $0x10, s19  }
0x4a: {  	[tilespmem:s19+$0x0] =	vst v4  }
0x4b: {  	v5 =	vmov s20;
	s20 =	sadd.s32 $0x10, s20;
	v4 =	vld.idx.msk [tilespmem:v6+s16+$0x0], $0xffff  }
0x4c: {  	v5 =	vshll.u32 v5, $0x4  }
0x4d: {  	v5 =	vadd.s32 v0, v5;
	_ =	sdelay $0x2  }
0x4e: {  	s19 =	sadd.s32 $0x10, s19  }
0x4f: {  	[tilespmem:s19+$0x0] =	vst v4  }
0x50: {  	v4 =	vld.idx.msk [tilespmem:v5+s16+$0x0], $0xffff;
	_ =	sdelay $0x3  }
0x51: {  	s19 =	sadd.s32 $0x10, s19  }
0x52: {  	[tilespmem:s19+$0x0] =	vst v4  }
0x53: {  	v4 =	vld.idx.msk [tilespmem:v3+s16+$0x0], $0xffff;
	_ =	sdelay $0x2  }
0x54: {  	s18 =	sadd.s32 $0x1, s18  }
0x55: {  	p0 =	sne.s32 s18, s8  }
.Ltmp3:
0x56: {  	[tilespmem:$0x4FE8] =	vst v4;
	(pc) =	sbr.rel @p0 .LBB2_1-.Ltmp3, $4  }
0x57: {  	[hbm4b:s7+s3] =	stream.linear.scatter [tilespmem:s17], [sflag:$0x1], $0x278, $0x38;
	[tilespmem:$0x7778] =	vst v63  }
0x58: {  	_ =	swait.ge [sflag:s13], $0x278  }
0x59: {  	[sflag:s13] =	ssyncset.done $0x0  }
0x5a: {  	[sflag:s13] =	ssyncadd.s32 $0xFFFFFD88  }
0x5b: {  	_ =	sfence.sel $0x180000  }
0x5c: {  	[bflag:$0x0] =	sbarrier.arrive $0xFFFF  }
0x5d: {  	p0 =	sne.s32 s0, $0x0;
	_ =	strace $0x90000047  }
0x5e: {  	s0 =	sadd.s32 @!p0 $0x100000, s1;
	[bflag:$0x2] =	sbarrier.arrive $0xFFFF  }
0x5f: {  	[sflag:s0] =	ssyncadd.tile.s32 @!p0 $0x1;
	_ =	shalt  }
.Lfunc_end2:
_tile_overlayer_lowered:
.L_overlay_start_2:
0x60: {  	(tag) =	ssettag $0x2  }
0x61: {  	s0 =	rddreg [dreg:$0x0];
	s2 =	stileid.u32  }
0x62: {  	s1 =	rddreg [dreg:$0x1];
	p0 =	sne.s32 s2, $0x0  }
0x63: {  	s3 =	rddreg [dreg:$0x2];
	[bflag:$0x3] =	sbarrier.arrive $0xFFFF;
	s2 =	simm.s32 @!p0 $0x1C01  }
0x64: {  	[timem:s3], [sflag:s2] =	dma.local @!p0 [hbm:s0], s1  }
0x65: {  	s0 =	simm.s32 @!p0 $0x1  }
0x66: {  	_ =	swait.ge @!p0 [sflag:s0], s1  }
0x67: {  	s1 =	ssub.s32 @!p0 $0x0, s1;
	[sflag:s0] =	ssyncset.done @!p0 $0x0  }
0x68: {  	[sflag:s0] =	ssyncadd.s32 @!p0 s1  }
0x69: {  	[bflag:$0x3] =	sbarrier.arrive $0xFFFF  }
0x6a: {  	_ =	shalt  }

</sc_bundles>
